<compile_context>
chip_gen: v7x
topology: tpu7x:2x2x1
jax: 0.10.2.dev20260603
libtpu: 0.0.44.dev20260713+nightly
codegen_flags: <defaults>
</compile_context>

<pallas_src>
import functools

import jax
import jax.numpy as jnp
from jax import lax
from jax.experimental import pallas as pl
from jax.experimental.pallas import tpu as pltpu
from jax.experimental.pallas import tpu_sc as plsc

_K = 8192
_D = 32
_Z = 512
_KC = 2048
_STEPS = _K // _KC


def _score_body(z_ref, ct_ref, tok_ref, rep_ref, zt_ref, mval_ref, midx_ref):
    i = pl.program_id(0)

    @pl.when(i == 0)
    def _():
        mval_ref[...] = jnp.full((1, _Z), jnp.inf, jnp.float32)
        midx_ref[...] = jnp.zeros((1, _Z), jnp.float32)
        zt_ref[...] = -2.0 * z_ref[...].T

    ct = ct_ref[...]
    rep_ref[:, : _D] = ct.T
    cn = jnp.sum(ct * ct, axis=0)[:, None]
    zc = lax.dot_general(
        ct, zt_ref[...], (((0,), (0,)), ((), ())),
        preferred_element_type=jnp.float32,
        precision=lax.Precision.HIGHEST,
    )
    s = zc + cn
    lmin = jnp.min(s, axis=0, keepdims=True)
    li = jnp.argmin(s, axis=0)[None, :].astype(jnp.float32)
    li = li + jnp.float32(i * _KC)
    better = lmin < mval_ref[...]
    mval_ref[...] = jnp.where(better, lmin, mval_ref[...])
    midx_ref[...] = jnp.where(better, li, midx_ref[...])

    @pl.when(i == _STEPS - 1)
    def _():
        tok_ref[...] = midx_ref[...].astype(jnp.int32)


def _tokens_and_table(z, ct):
    return pl.pallas_call(
        _score_body,
        grid=(_STEPS,),
        in_specs=[
            pl.BlockSpec((_Z, _D), lambda i: (0, 0)),
            pl.BlockSpec((_D, _KC), lambda i: (0, i)),
        ],
        out_specs=[
            pl.BlockSpec((1, _Z), lambda i: (0, 0)),
            pl.BlockSpec((_KC, 128), lambda i: (i, 0)),
        ],
        out_shape=[
            jax.ShapeDtypeStruct((1, _Z), jnp.int32),
            jax.ShapeDtypeStruct((_K, 128), jnp.float32),
        ],
        scratch_shapes=[
            pltpu.VMEM((_D, _Z), jnp.float32),
            pltpu.VMEM((1, _Z), jnp.float32),
            pltpu.VMEM((1, _Z), jnp.float32),
        ],
    )(z, ct)


def _sc_gather(table, tokens):
    info = plsc.get_sparse_core_info()
    nc, ns = 1, info.num_subcores
    nw = nc * ns
    b_per_w = _Z // nw
    mesh = plsc.VectorSubcoreMesh(core_axis_name="c", subcore_axis_name="s", num_cores=1)

    @functools.partial(
        pl.kernel, mesh=mesh,
        out_type=jax.ShapeDtypeStruct((_Z, _D), jnp.float32),
        scratch_types=[
            pltpu.VMEM((b_per_w,), jnp.int32),
            pltpu.VMEM((b_per_w, 128), jnp.float32),
            pltpu.VMEM((b_per_w, _D), jnp.float32),
            pltpu.SemaphoreType.DMA,
        ],
    )
    def k(table_hbm, idx_hbm, out_hbm, idx_v, lines_v, out_v, sem):
        wid = lax.axis_index("s") * nc + lax.axis_index("c")
        base = wid * b_per_w
        pltpu.sync_copy(idx_hbm.at[pl.ds(base, b_per_w)], idx_v)
        pltpu.async_copy(table_hbm.at[idx_v], lines_v, sem).wait()
        for r in range(b_per_w):
            for j in range(_D // 16):
                out_v[r, pl.ds(16 * j, 16)] = lines_v[r, pl.ds(16 * j, 16)]
        pltpu.sync_copy(out_v, out_hbm.at[pl.ds(base, b_per_w)])

    return k(table, tokens)


def kernel(inputs, codebook, training):
    del training
    b, h, w, d = inputs.shape
    z = inputs.reshape(b * h * w, d)
    tokens, table = _tokens_and_table(z, codebook.T)
    emb = _sc_gather(table, tokens.reshape(_Z))
    return emb.reshape(b, h, w, d)

# --- scband reference (transcript-rebuilt; emitter-appended) ---
"""Pipeline reference for scband-vector-quantizer-30296699306285 (READ-ONLY COPY).

The authoritative reference and input builder live on the scoring server;
editing this copy changes nothing except your own understanding.
"""

import jax, jax.numpy as jnp
import numpy as np

CODEBOOK_SIZE = 8192
EMBEDDING_DIM = 32


def setup_inputs(seed: int = 0) -> dict:
    key = jax.random.key(seed)
    k1, k2 = jax.random.split(key)
    inputs = jax.random.normal(k1, (2, 16, 16, EMBEDDING_DIM), dtype=jnp.float32)
    # tf.keras.initializers.RandomUniform() default: minval=-0.05, maxval=0.05
    codebook = jax.random.uniform(k2, (CODEBOOK_SIZE, EMBEDDING_DIM), dtype=jnp.float32, minval=-0.05, maxval=0.05)
    return {"inputs": inputs, "codebook": codebook, "training": True}


def reference(inputs, codebook, training=True):
    # distances: [B, H, W, K] = sum over last dim of (values[:, :, :, None, :] - codebook)^2
    diff = inputs[:, :, :, None, :] - codebook[None, None, None, :, :]
    distances = jnp.sum(jnp.square(diff), axis=-1)
    # tokens: argmin over codebook axis
    tokens = jnp.argmin(distances, axis=-1)
    # embeddings: gather rows of codebook
    embeddings = jnp.take(codebook, tokens, axis=0)
    # (metric: number of unique codes used -- side effect only, does not affect output)
    # straight-through estimator
    ste_embeddings = inputs + jax.lax.stop_gradient(embeddings - inputs)
    embeddings = jnp.where(training, ste_embeddings, embeddings)
    return embeddings

if __name__ == "__main__":
    import jax
    _d = setup_inputs()
    print(jax.jit(kernel)(*tuple(_d.values())))

</pallas_src>

<mosaic_0001>
#map = affine_map<(d0, d1) -> (0, 0)>
#map1 = affine_map<(d0, d1) -> (0)>
module attributes {stable_mosaic.version = 14 : i64} {
  func.func @k(%arg0: i32, %arg1: i32, %arg2: memref<8192x128xf32, #tpu.memory_space<hbm>>, %arg3: memref<512xi32, #tpu.memory_space<hbm>>, %arg4: memref<512x32xf32, #tpu.memory_space<hbm>>, %arg5: memref<32xi32, #tpu.memory_space<vmem>>, %arg6: memref<32x128xf32, #tpu.memory_space<vmem>>, %arg7: memref<32x32xf32, #tpu.memory_space<vmem>>, %arg8: memref<!tpu.dma_semaphore, #tpu.memory_space<semaphore_mem>>) attributes {dimension_semantics = [#tpu.dimension_semantics<core_parallel>, #tpu.dimension_semantics<subcore_parallel>], iteration_bounds = array<i64: 1, 16>, scalar_prefetch = 0 : i64, scratch_operands = 4 : i64, tpu.core_type = #tpu.core_type<sc_vector_subcore>, window_params = [{transform_indices = #map}, {transform_indices = #map1}, {transform_indices = #map}]} {
    %mul3A = arith.constant 1 : i32
    %mul3A_0 = arith.muli %arg1, %mul3A : i32
    %add3A = arith.addi %mul3A_0, %arg0 : i32
    %mul3A_1 = arith.constant 32 : i32
    %mul3A_2 = arith.muli %add3A, %mul3A_1 : i32
    "tpu.region"() ({
      %run_scoped3A = tpu.sem_alloc : memref<!tpu.dma_semaphore, #tpu.memory_space<semaphore_mem>>
      %dma_start3A_709 = tpu.memref_slice %arg3[%mul3A_2] : memref<512xi32, #tpu.memory_space<hbm>> -> memref<32xi32, #tpu.memory_space<hbm>>
      %dma_start3A_710 = tpu.memref_slice %arg3[%mul3A_2] : memref<512xi32, #tpu.memory_space<hbm>> -> memref<32xi32, #tpu.memory_space<hbm>>
      tpu.enqueue_dma source(%dma_start3A_710 : memref<32xi32, #tpu.memory_space<hbm>>) target(%arg5 : memref<32xi32, #tpu.memory_space<vmem>>) target_semaphore(%run_scoped3A : memref<!tpu.dma_semaphore, #tpu.memory_space<semaphore_mem>>)
      %dma_wait3A_711 = tpu.memref_slice %arg3[%mul3A_2] : memref<512xi32, #tpu.memory_space<hbm>> -> memref<32xi32, #tpu.memory_space<hbm>>
      %dma_wait3A_712 = tpu.memref_slice %arg3[%mul3A_2] : memref<512xi32, #tpu.memory_space<hbm>> -> memref<32xi32, #tpu.memory_space<hbm>>
      tpu.wait_dma2 semaphore(%run_scoped3A : memref<!tpu.dma_semaphore, #tpu.memory_space<semaphore_mem>>) src(%dma_wait3A_712 : memref<32xi32, #tpu.memory_space<hbm>>) dst(%arg5 : memref<32xi32, #tpu.memory_space<vmem>>)
      tpu.yield
    }) : () -> ()
    %dma_start3A = arith.constant 0 : i32
    %dma_start3A_3 = arith.constant 0 : i32
    %dma_start3A_4 = tpu.memref_slice %arg2[%dma_start3A, %dma_start3A_3] : memref<8192x128xf32, #tpu.memory_space<hbm>> -> memref<8192x128xf32, #tpu.memory_space<hbm>>
    tpu.enqueue_indirect_dma source(%dma_start3A_4 : memref<8192x128xf32, #tpu.memory_space<hbm>>) target(%arg6 : memref<32x128xf32, #tpu.memory_space<vmem>>) offsets(%arg5 : memref<32xi32, #tpu.memory_space<vmem>>) semaphore(%arg8 : memref<!tpu.dma_semaphore, #tpu.memory_space<semaphore_mem>>)
    %dma_wait3A = arith.constant 0 : i32
    %dma_wait3A_5 = arith.constant 0 : i32
    %dma_wait3A_6 = tpu.memref_slice %arg2[%dma_wait3A, %dma_wait3A_5] : memref<8192x128xf32, #tpu.memory_space<hbm>> -> memref<8192x128xf32, #tpu.memory_space<hbm>>
    tpu.wait_indirect_dma semaphore(%arg8 : memref<!tpu.dma_semaphore, #tpu.memory_space<semaphore_mem>>) src(%dma_wait3A_6 : memref<8192x128xf32, #tpu.memory_space<hbm>>) dst(%arg6 : memref<32x128xf32, #tpu.memory_space<vmem>>)
    %get3A = arith.constant 0 : i32
    %get3A_7 = arith.index_cast %get3A : i32 to index
    %get3A_8 = arith.constant 0 : index
    %get3A_9 = tpu.vector_load %arg6[%get3A_7, %get3A_8] {strides = array<i32>} : memref<32x128xf32, #tpu.memory_space<vmem>>, vector<1x16xf32>,
    %get3A_10 = vector.shape_cast %get3A_9 : vector<1x16xf32> to vector<16xf32>
    %swap3A = arith.constant 0 : i32
    %swap3A_11 = arith.index_cast %swap3A : i32 to index
    %swap3A_12 = arith.constant 0 : index
    %swap3A_13 = tpu.vector_load %arg7[%swap3A_11, %swap3A_12] {strides = array<i32>} : memref<32x32xf32, #tpu.memory_space<vmem>>, vector<1x16xf32>,
    %swap3A_14 = vector.shape_cast %swap3A_13 : vector<1x16xf32> to vector<16xf32>
    %swap3A_15 = vector.shape_cast %get3A_10 : vector<16xf32> to vector<1x16xf32>
    tpu.vector_store %arg7[%swap3A_11, %swap3A_12], %swap3A_15 {strides = array<i32>} : memref<32x32xf32, #tpu.memory_space<vmem>>, vector<1x16xf32>,
    %get3A_16 = arith.constant 0 : i32
    %get3A_17 = arith.index_cast %get3A_16 : i32 to index
    %get3A_18 = arith.constant 16 : index
    %get3A_19 = tpu.vector_load %arg6[%get3A_17, %get3A_18] {strides = array<i32>} : memref<32x128xf32, #tpu.memory_space<vmem>>, vector<1x16xf32>,
    %get3A_20 = vector.shape_cast %get3A_19 : vector<1x16xf32> to vector<16xf32>
    %swap3A_21 = arith.constant 0 : i32
    %swap3A_22 = arith.index_cast %swap3A_21 : i32 to index
    %swap3A_23 = arith.constant 16 : index
    %swap3A_24 = tpu.vector_load %arg7[%swap3A_22, %swap3A_23] {strides = array<i32>} : memref<32x32xf32, #tpu.memory_space<vmem>>, vector<1x16xf32>,
    %swap3A_25 = vector.shape_cast %swap3A_24 : vector<1x16xf32> to vector<16xf32>
    %swap3A_26 = vector.shape_cast %get3A_20 : vector<16xf32> to vector<1x16xf32>
    tpu.vector_store %arg7[%swap3A_22, %swap3A_23], %swap3A_26 {strides = array<i32>} : memref<32x32xf32, #tpu.memory_space<vmem>>, vector<1x16xf32>,
    %get3A_27 = arith.constant 1 : i32
    %get3A_28 = arith.index_cast %get3A_27 : i32 to index
    %get3A_29 = arith.constant 0 : index
    %get3A_30 = tpu.vector_load %arg6[%get3A_28, %get3A_29] {strides = array<i32>} : memref<32x128xf32, #tpu.memory_space<vmem>>, vector<1x16xf32>,
    %get3A_31 = vector.shape_cast %get3A_30 : vector<1x16xf32> to vector<16xf32>
    %swap3A_32 = arith.constant 1 : i32
    %swap3A_33 = arith.index_cast %swap3A_32 : i32 to index
    %swap3A_34 = arith.constant 0 : index
    %swap3A_35 = tpu.vector_load %arg7[%swap3A_33, %swap3A_34] {strides = array<i32>} : memref<32x32xf32, #tpu.memory_space<vmem>>, vector<1x16xf32>,
    %swap3A_36 = vector.shape_cast %swap3A_35 : vector<1x16xf32> to vector<16xf32>
    %swap3A_37 = vector.shape_cast %get3A_31 : vector<16xf32> to vector<1x16xf32>
    tpu.vector_store %arg7[%swap3A_33, %swap3A_34], %swap3A_37 {strides = array<i32>} : memref<32x32xf32, #tpu.memory_space<vmem>>, vector<1x16xf32>,
    %get3A_38 = arith.constant 1 : i32
    %get3A_39 = arith.index_cast %get3A_38 : i32 to index
    %get3A_40 = arith.constant 16 : index
    %get3A_41 = tpu.vector_load %arg6[%get3A_39, %get3A_40] {strides = array<i32>} : memref<32x128xf32, #tpu.memory_space<vmem>>, vector<1x16xf32>,
    %get3A_42 = vector.shape_cast %get3A_41 : vector<1x16xf32> to vector<16xf32>
    %swap3A_43 = arith.constant 1 : i32
    %swap3A_44 = arith.index_cast %swap3A_43 : i32 to index
    %swap3A_45 = arith.constant 16 : index
    %swap3A_46 = tpu.vector_load %arg7[%swap3A_44, %swap3A_45] {strides = array<i32>} : memref<32x32xf32, #tpu.memory_space<vmem>>, vector<1x16xf32>,
    %swap3A_47 = vector.shape_cast %swap3A_46 : vector<1x16xf32> to vector<16xf32>
    %swap3A_48 = vector.shape_cast %get3A_42 : vector<16xf32> to vector<1x16xf32>
    tpu.vector_store %arg7[%swap3A_44, %swap3A_45], %swap3A_48 {strides = array<i32>} : memref<32x32xf32, #tpu.memory_space<vmem>>, vector<1x16xf32>,
    %get3A_49 = arith.constant 2 : i32
    %get3A_50 = arith.index_cast %get3A_49 : i32 to index
    %get3A_51 = arith.constant 0 : index
    %get3A_52 = tpu.vector_load %arg6[%get3A_50, %get3A_51] {strides = array<i32>} : memref<32x128xf32, #tpu.memory_space<vmem>>, vector<1x16xf32>,
    %get3A_53 = vector.shape_cast %get3A_52 : vector<1x16xf32> to vector<16xf32>
    %swap3A_54 = arith.constant 2 : i32
    %swap3A_55 = arith.index_cast %swap3A_54 : i32 to index
    %swap3A_56 = arith.constant 0 : index
    %swap3A_57 = tpu.vector_load %arg7[%swap3A_55, %swap3A_56] {strides = array<i32>} : memref<32x32xf32, #tpu.memory_space<vmem>>, vector<1x16xf32>,
    %swap3A_58 = vector.shape_cast %swap3A_57 : vector<1x16xf32> to vector<16xf32>
    %swap3A_59 = vector.shape_cast %get3A_53 : vector<16xf32> to vector<1x16xf32>
    tpu.vector_store %arg7[%swap3A_55, %swap3A_56], %swap3A_59 {strides = array<i32>} : memref<32x32xf32, #tpu.memory_space<vmem>>, vector<1x16xf32>,
    %get3A_60 = arith.constant 2 : i32
    %get3A_61 = arith.index_cast %get3A_60 : i32 to index
    %get3A_62 = arith.constant 16 : index
    %get3A_63 = tpu.vector_load %arg6[%get3A_61, %get3A_62] {strides = array<i32>} : memref<32x128xf32, #tpu.memory_space<vmem>>, vector<1x16xf32>,
    %get3A_64 = vector.shape_cast %get3A_63 : vector<1x16xf32> to vector<16xf32>
    %swap3A_65 = arith.constant 2 : i32
    %swap3A_66 = arith.index_cast %swap3A_65 : i32 to index
    %swap3A_67 = arith.constant 16 : index
    %swap3A_68 = tpu.vector_load %arg7[%swap3A_66, %swap3A_67] {strides = array<i32>} : memref<32x32xf32, #tpu.memory_space<vmem>>, vector<1x16xf32>,
    %swap3A_69 = vector.shape_cast %swap3A_68 : vector<1x16xf32> to vector<16xf32>
    %swap3A_70 = vector.shape_cast %get3A_64 : vector<16xf32> to vector<1x16xf32>
    tpu.vector_store %arg7[%swap3A_66, %swap3A_67], %swap3A_70 {strides = array<i32>} : memref<32x32xf32, #tpu.memory_space<vmem>>, vector<1x16xf32>,
    %get3A_71 = arith.constant 3 : i32
    %get3A_72 = arith.index_cast %get3A_71 : i32 to index
    %get3A_73 = arith.constant 0 : index
    %get3A_74 = tpu.vector_load %arg6[%get3A_72, %get3A_73] {strides = array<i32>} : memref<32x128xf32, #tpu.memory_space<vmem>>, vector<1x16xf32>,
    %get3A_75 = vector.shape_cast %get3A_74 : vector<1x16xf32> to vector<16xf32>
    %swap3A_76 = arith.constant 3 : i32
    %swap3A_77 = arith.index_cast %swap3A_76 : i32 to index
    %swap3A_78 = arith.constant 0 : index
    %swap3A_79 = tpu.vector_load %arg7[%swap3A_77, %swap3A_78] {strides = array<i32>} : memref<32x32xf32, #tpu.memory_space<vmem>>, vector<1x16xf32>,
    %swap3A_80 = vector.shape_cast %swap3A_79 : vector<1x16xf32> to vector<16xf32>
    %swap3A_81 = vector.shape_cast %get3A_75 : vector<16xf32> to vector<1x16xf32>
    tpu.vector_store %arg7[%swap3A_77, %swap3A_78], %swap3A_81 {strides = array<i32>} : memref<32x32xf32, #tpu.memory_space<vmem>>, vector<1x16xf32>,
    %get3A_82 = arith.constant 3 : i32
    %get3A_83 = arith.index_cast %get3A_82 : i32 to index
    %get3A_84 = arith.constant 16 : index
    %get3A_85 = tpu.vector_load %arg6[%get3A_83, %get3A_84] {strides = array<i32>} : memref<32x128xf32, #tpu.memory_space<vmem>>, vector<1x16xf32>,
    %get3A_86 = vector.shape_cast %get3A_85 : vector<1x16xf32> to vector<16xf32>
    %swap3A_87 = arith.constant 3 : i32
    %swap3A_88 = arith.index_cast %swap3A_87 : i32 to index
    %swap3A_89 = arith.constant 16 : index
    %swap3A_90 = tpu.vector_load %arg7[%swap3A_88, %swap3A_89] {strides = array<i32>} : memref<32x32xf32, #tpu.memory_space<vmem>>, vector<1x16xf32>,
    %swap3A_91 = vector.shape_cast %swap3A_90 : vector<1x16xf32> to vector<16xf32>
    %swap3A_92 = vector.shape_cast %get3A_86 : vector<16xf32> to vector<1x16xf32>
    tpu.vector_store %arg7[%swap3A_88, %swap3A_89], %swap3A_92 {strides = array<i32>} : memref<32x32xf32, #tpu.memory_space<vmem>>, vector<1x16xf32>,
    %get3A_93 = arith.constant 4 : i32
    %get3A_94 = arith.index_cast %get3A_93 : i32 to index
    %get3A_95 = arith.constant 0 : index
    %get3A_96 = tpu.vector_load %arg6[%get3A_94, %get3A_95] {strides = array<i32>} : memref<32x128xf32, #tpu.memory_space<vmem>>, vector<1x16xf32>,
    %get3A_97 = vector.shape_cast %get3A_96 : vector<1x16xf32> to vector<16xf32>
    %swap3A_98 = arith.constant 4 : i32
    %swap3A_99 = arith.index_cast %swap3A_98 : i32 to index
    %swap3A_100 = arith.constant 0 : index
    %swap3A_101 = tpu.vector_load %arg7[%swap3A_99, %swap3A_100] {strides = array<i32>} : memref<32x32xf32, #tpu.memory_space<vmem>>, vector<1x16xf32>,
    %swap3A_102 = vector.shape_cast %swap3A_101 : vector<1x16xf32> to vector<16xf32>
    %swap3A_103 = vector.shape_cast %get3A_97 : vector<16xf32> to vector<1x16xf32>
    tpu.vector_store %arg7[%swap3A_99, %swap3A_100], %swap3A_103 {strides = array<i32>} : memref<32x32xf32, #tpu.memory_space<vmem>>, vector<1x16xf32>,
    %get3A_104 = arith.constant 4 : i32
    %get3A_105 = arith.index_cast %get3A_104 : i32 to index
    %get3A_106 = arith.constant 16 : index
    %get3A_107 = tpu.vector_load %arg6[%get3A_105, %get3A_106] {strides = array<i32>} : memref<32x128xf32, #tpu.memory_space<vmem>>, vector<1x16xf32>,
    %get3A_108 = vector.shape_cast %get3A_107 : vector<1x16xf32> to vector<16xf32>
    %swap3A_109 = arith.constant 4 : i32
    %swap3A_110 = arith.index_cast %swap3A_109 : i32 to index
    %swap3A_111 = arith.constant 16 : index
    %swap3A_112 = tpu.vector_load %arg7[%swap3A_110, %swap3A_111] {strides = array<i32>} : memref<32x32xf32, #tpu.memory_space<vmem>>, vector<1x16xf32>,
    %swap3A_113 = vector.shape_cast %swap3A_112 : vector<1x16xf32> to vector<16xf32>
    %swap3A_114 = vector.shape_cast %get3A_108 : vector<16xf32> to vector<1x16xf32>
    tpu.vector_store %arg7[%swap3A_110, %swap3A_111], %swap3A_114 {strides = array<i32>} : memref<32x32xf32, #tpu.memory_space<vmem>>, vector<1x16xf32>,
    %get3A_115 = arith.constant 5 : i32
    %get3A_116 = arith.index_cast %get3A_115 : i32 to index
    %get3A_117 = arith.constant 0 : index
    %get3A_118 = tpu.vector_load %arg6[%get3A_116, %get3A_117] {strides = array<i32>} : memref<32x128xf32, #tpu.memory_space<vmem>>, vector<1x16xf32>,
    %get3A_119 = vector.shape_cast %get3A_118 : vector<1x16xf32> to vector<16xf32>
    %swap3A_120 = arith.constant 5 : i32
    %swap3A_121 = arith.index_cast %swap3A_120 : i32 to index
    %swap3A_122 = arith.constant 0 : index
    %swap3A_123 = tpu.vector_load %arg7[%swap3A_121, %swap3A_122] {strides = array<i32>} : memref<32x32xf32, #tpu.memory_space<vmem>>, vector<1x16xf32>,
    %swap3A_124 = vector.shape_cast %swap3A_123 : vector<1x16xf32> to vector<16xf32>
    %swap3A_125 = vector.shape_cast %get3A_119 : vector<16xf32> to vector<1x16xf32>
    tpu.vector_store %arg7[%swap3A_121, %swap3A_122], %swap3A_125 {strides = array<i32>} : memref<32x32xf32, #tpu.memory_space<vmem>>, vector<1x16xf32>,
    %get3A_126 = arith.constant 5 : i32
    %get3A_127 = arith.index_cast %get3A_126 : i32 to index
    %get3A_128 = arith.constant 16 : index
    %get3A_129 = tpu.vector_load %arg6[%get3A_127, %get3A_128] {strides = array<i32>} : memref<32x128xf32, #tpu.memory_space<vmem>>, vector<1x16xf32>,
    %get3A_130 = vector.shape_cast %get3A_129 : vector<1x16xf32> to vector<16xf32>
    %swap3A_131 = arith.constant 5 : i32
    %swap3A_132 = arith.index_cast %swap3A_131 : i32 to index
    %swap3A_133 = arith.constant 16 : index
    %swap3A_134 = tpu.vector_load %arg7[%swap3A_132, %swap3A_133] {strides = array<i32>} : memref<32x32xf32, #tpu.memory_space<vmem>>, vector<1x16xf32>,
    %swap3A_135 = vector.shape_cast %swap3A_134 : vector<1x16xf32> to vector<16xf32>
    %swap3A_136 = vector.shape_cast %get3A_130 : vector<16xf32> to vector<1x16xf32>
    tpu.vector_store %arg7[%swap3A_132, %swap3A_133], %swap3A_136 {strides = array<i32>} : memref<32x32xf32, #tpu.memory_space<vmem>>, vector<1x16xf32>,
    %get3A_137 = arith.constant 6 : i32
    %get3A_138 = arith.index_cast %get3A_137 : i32 to index
    %get3A_139 = arith.constant 0 : index
    %get3A_140 = tpu.vector_load %arg6[%get3A_138, %get3A_139] {strides = array<i32>} : memref<32x128xf32, #tpu.memory_space<vmem>>, vector<1x16xf32>,
    %get3A_141 = vector.shape_cast %get3A_140 : vector<1x16xf32> to vector<16xf32>
    %swap3A_142 = arith.constant 6 : i32
    %swap3A_143 = arith.index_cast %swap3A_142 : i32 to index
    %swap3A_144 = arith.constant 0 : index
    %swap3A_145 = tpu.vector_load %arg7[%swap3A_143, %swap3A_144] {strides = array<i32>} : memref<32x32xf32, #tpu.memory_space<vmem>>, vector<1x16xf32>,
    %swap3A_146 = vector.shape_cast %swap3A_145 : vector<1x16xf32> to vector<16xf32>
    %swap3A_147 = vector.shape_cast %get3A_141 : vector<16xf32> to vector<1x16xf32>
    tpu.vector_store %arg7[%swap3A_143, %swap3A_144], %swap3A_147 {strides = array<i32>} : memref<32x32xf32, #tpu.memory_space<vmem>>, vector<1x16xf32>,
    %get3A_148 = arith.constant 6 : i32
    %get3A_149 = arith.index_cast %get3A_148 : i32 to index
    %get3A_150 = arith.constant 16 : index
    %get3A_151 = tpu.vector_load %arg6[%get3A_149, %get3A_150] {strides = array<i32>} : memref<32x128xf32, #tpu.memory_space<vmem>>, vector<1x16xf32>,
    %get3A_152 = vector.shape_cast %get3A_151 : vector<1x16xf32> to vector<16xf32>
    %swap3A_153 = arith.constant 6 : i32
    %swap3A_154 = arith.index_cast %swap3A_153 : i32 to index
    %swap3A_155 = arith.constant 16 : index
    %swap3A_156 = tpu.vector_load %arg7[%swap3A_154, %swap3A_155] {strides = array<i32>} : memref<32x32xf32, #tpu.memory_space<vmem>>, vector<1x16xf32>,
    %swap3A_157 = vector.shape_cast %swap3A_156 : vector<1x16xf32> to vector<16xf32>
    %swap3A_158 = vector.shape_cast %get3A_152 : vector<16xf32> to vector<1x16xf32>
    tpu.vector_store %arg7[%swap3A_154, %swap3A_155], %swap3A_158 {strides = array<i32>} : memref<32x32xf32, #tpu.memory_space<vmem>>, vector<1x16xf32>,
    %get3A_159 = arith.constant 7 : i32
    %get3A_160 = arith.index_cast %get3A_159 : i32 to index
    %get3A_161 = arith.constant 0 : index
    %get3A_162 = tpu.vector_load %arg6[%get3A_160, %get3A_161] {strides = array<i32>} : memref<32x128xf32, #tpu.memory_space<vmem>>, vector<1x16xf32>,
    %get3A_163 = vector.shape_cast %get3A_162 : vector<1x16xf32> to vector<16xf32>
    %swap3A_164 = arith.constant 7 : i32
    %swap3A_165 = arith.index_cast %swap3A_164 : i32 to index
    %swap3A_166 = arith.constant 0 : index
    %swap3A_167 = tpu.vector_load %arg7[%swap3A_165, %swap3A_166] {strides = array<i32>} : memref<32x32xf32, #tpu.memory_space<vmem>>, vector<1x16xf32>,
    %swap3A_168 = vector.shape_cast %swap3A_167 : vector<1x16xf32> to vector<16xf32>
    %swap3A_169 = vector.shape_cast %get3A_163 : vector<16xf32> to vector<1x16xf32>
    tpu.vector_store %arg7[%swap3A_165, %swap3A_166], %swap3A_169 {strides = array<i32>} : memref<32x32xf32, #tpu.memory_space<vmem>>, vector<1x16xf32>,
    %get3A_170 = arith.constant 7 : i32
    %get3A_171 = arith.index_cast %get3A_170 : i32 to index
    %get3A_172 = arith.constant 16 : index
    %get3A_173 = tpu.vector_load %arg6[%get3A_171, %get3A_172] {strides = array<i32>} : memref<32x128xf32, #tpu.memory_space<vmem>>, vector<1x16xf32>,
    %get3A_174 = vector.shape_cast %get3A_173 : vector<1x16xf32> to vector<16xf32>
    %swap3A_175 = arith.constant 7 : i32
    %swap3A_176 = arith.index_cast %swap3A_175 : i32 to index
    %swap3A_177 = arith.constant 16 : index
    %swap3A_178 = tpu.vector_load %arg7[%swap3A_176, %swap3A_177] {strides = array<i32>} : memref<32x32xf32, #tpu.memory_space<vmem>>, vector<1x16xf32>,
    %swap3A_179 = vector.shape_cast %swap3A_178 : vector<1x16xf32> to vector<16xf32>
    %swap3A_180 = vector.shape_cast %get3A_174 : vector<16xf32> to vector<1x16xf32>
    tpu.vector_store %arg7[%swap3A_176, %swap3A_177], %swap3A_180 {strides = array<i32>} : memref<32x32xf32, #tpu.memory_space<vmem>>, vector<1x16xf32>,
    %get3A_181 = arith.constant 8 : i32
    %get3A_182 = arith.index_cast %get3A_181 : i32 to index
    %get3A_183 = arith.constant 0 : index
    %get3A_184 = tpu.vector_load %arg6[%get3A_182, %get3A_183] {strides = array<i32>} : memref<32x128xf32, #tpu.memory_space<vmem>>, vector<1x16xf32>,
    %get3A_185 = vector.shape_cast %get3A_184 : vector<1x16xf32> to vector<16xf32>
    %swap3A_186 = arith.constant 8 : i32
    %swap3A_187 = arith.index_cast %swap3A_186 : i32 to index
    %swap3A_188 = arith.constant 0 : index
    %swap3A_189 = tpu.vector_load %arg7[%swap3A_187, %swap3A_188] {strides = array<i32>} : memref<32x32xf32, #tpu.memory_space<vmem>>, vector<1x16xf32>,
    %swap3A_190 = vector.shape_cast %swap3A_189 : vector<1x16xf32> to vector<16xf32>
    %swap3A_191 = vector.shape_cast %get3A_185 : vector<16xf32> to vector<1x16xf32>
    tpu.vector_store %arg7[%swap3A_187, %swap3A_188], %swap3A_191 {strides = array<i32>} : memref<32x32xf32, #tpu.memory_space<vmem>>, vector<1x16xf32>,
    %get3A_192 = arith.constant 8 : i32
    %get3A_193 = arith.index_cast %get3A_192 : i32 to index
    %get3A_194 = arith.constant 16 : index
    %get3A_195 = tpu.vector_load %arg6[%get3A_193, %get3A_194] {strides = array<i32>} : memref<32x128xf32, #tpu.memory_space<vmem>>, vector<1x16xf32>,
    %get3A_196 = vector.shape_cast %get3A_195 : vector<1x16xf32> to vector<16xf32>
    %swap3A_197 = arith.constant 8 : i32
    %swap3A_198 = arith.index_cast %swap3A_197 : i32 to index
    %swap3A_199 = arith.constant 16 : index
    %swap3A_200 = tpu.vector_load %arg7[%swap3A_198, %swap3A_199] {strides = array<i32>} : memref<32x32xf32, #tpu.memory_space<vmem>>, vector<1x16xf32>,
    %swap3A_201 = vector.shape_cast %swap3A_200 : vector<1x16xf32> to vector<16xf32>
    %swap3A_202 = vector.shape_cast %get3A_196 : vector<16xf32> to vector<1x16xf32>
    tpu.vector_store %arg7[%swap3A_198, %swap3A_199], %swap3A_202 {strides = array<i32>} : memref<32x32xf32, #tpu.memory_space<vmem>>, vector<1x16xf32>,
    %get3A_203 = arith.constant 9 : i32
    %get3A_204 = arith.index_cast %get3A_203 : i32 to index
    %get3A_205 = arith.constant 0 : index
    %get3A_206 = tpu.vector_load %arg6[%get3A_204, %get3A_205] {strides = array<i32>} : memref<32x128xf32, #tpu.memory_space<vmem>>, vector<1x16xf32>,
    %get3A_207 = vector.shape_cast %get3A_206 : vector<1x16xf32> to vector<16xf32>
    %swap3A_208 = arith.constant 9 : i32
    %swap3A_209 = arith.index_cast %swap3A_208 : i32 to index
    %swap3A_210 = arith.constant 0 : index
    %swap3A_211 = tpu.vector_load %arg7[%swap3A_209, %swap3A_210] {strides = array<i32>} : memref<32x32xf32, #tpu.memory_space<vmem>>, vector<1x16xf32>,
    %swap3A_212 = vector.shape_cast %swap3A_211 : vector<1x16xf32> to vector<16xf32>
    %swap3A_213 = vector.shape_cast %get3A_207 : vector<16xf32> to vector<1x16xf32>
    tpu.vector_store %arg7[%swap3A_209, %swap3A_210], %swap3A_213 {strides = array<i32>} : memref<32x32xf32, #tpu.memory_space<vmem>>, vector<1x16xf32>,
    %get3A_214 = arith.constant 9 : i32
    %get3A_215 = arith.index_cast %get3A_214 : i32 to index
    %get3A_216 = arith.constant 16 : index
    %get3A_217 = tpu.vector_load %arg6[%get3A_215, %get3A_216] {strides = array<i32>} : memref<32x128xf32, #tpu.memory_space<vmem>>, vector<1x16xf32>,
    %get3A_218 = vector.shape_cast %get3A_217 : vector<1x16xf32> to vector<16xf32>
    %swap3A_219 = arith.constant 9 : i32
    %swap3A_220 = arith.index_cast %swap3A_219 : i32 to index
    %swap3A_221 = arith.constant 16 : index
    %swap3A_222 = tpu.vector_load %arg7[%swap3A_220, %swap3A_221] {strides = array<i32>} : memref<32x32xf32, #tpu.memory_space<vmem>>, vector<1x16xf32>,
    %swap3A_223 = vector.shape_cast %swap3A_222 : vector<1x16xf32> to vector<16xf32>
    %swap3A_224 = vector.shape_cast %get3A_218 : vector<16xf32> to vector<1x16xf32>
    tpu.vector_store %arg7[%swap3A_220, %swap3A_221], %swap3A_224 {strides = array<i32>} : memref<32x32xf32, #tpu.memory_space<vmem>>, vector<1x16xf32>,
    %get3A_225 = arith.constant 10 : i32
    %get3A_226 = arith.index_cast %get3A_225 : i32 to index
    %get3A_227 = arith.constant 0 : index
    %get3A_228 = tpu.vector_load %arg6[%get3A_226, %get3A_227] {strides = array<i32>} : memref<32x128xf32, #tpu.memory_space<vmem>>, vector<1x16xf32>,
    %get3A_229 = vector.shape_cast %get3A_228 : vector<1x16xf32> to vector<16xf32>
    %swap3A_230 = arith.constant 10 : i32
    %swap3A_231 = arith.index_cast %swap3A_230 : i32 to index
    %swap3A_232 = arith.constant 0 : index
    %swap3A_233 = tpu.vector_load %arg7[%swap3A_231, %swap3A_232] {strides = array<i32>} : memref<32x32xf32, #tpu.memory_space<vmem>>, vector<1x16xf32>,
    %swap3A_234 = vector.shape_cast %swap3A_233 : vector<1x16xf32> to vector<16xf32>
    %swap3A_235 = vector.shape_cast %get3A_229 : vector<16xf32> to vector<1x16xf32>
    tpu.vector_store %arg7[%swap3A_231, %swap3A_232], %swap3A_235 {strides = array<i32>} : memref<32x32xf32, #tpu.memory_space<vmem>>, vector<1x16xf32>,
    %get3A_236 = arith.constant 10 : i32
    %get3A_237 = arith.index_cast %get3A_236 : i32 to index
    %get3A_238 = arith.constant 16 : index
    %get3A_239 = tpu.vector_load %arg6[%get3A_237, %get3A_238] {strides = array<i32>} : memref<32x128xf32, #tpu.memory_space<vmem>>, vector<1x16xf32>,
    %get3A_240 = vector.shape_cast %get3A_239 : vector<1x16xf32> to vector<16xf32>
    %swap3A_241 = arith.constant 10 : i32
    %swap3A_242 = arith.index_cast %swap3A_241 : i32 to index
    %swap3A_243 = arith.constant 16 : index
    %swap3A_244 = tpu.vector_load %arg7[%swap3A_242, %swap3A_243] {strides = array<i32>} : memref<32x32xf32, #tpu.memory_space<vmem>>, vector<1x16xf32>,
    %swap3A_245 = vector.shape_cast %swap3A_244 : vector<1x16xf32> to vector<16xf32>
    %swap3A_246 = vector.shape_cast %get3A_240 : vector<16xf32> to vector<1x16xf32>
    tpu.vector_store %arg7[%swap3A_242, %swap3A_243], %swap3A_246 {strides = array<i32>} : memref<32x32xf32, #tpu.memory_space<vmem>>, vector<1x16xf32>,
    %get3A_247 = arith.constant 11 : i32
    %get3A_248 = arith.index_cast %get3A_247 : i32 to index
    %get3A_249 = arith.constant 0 : index
    %get3A_250 = tpu.vector_load %arg6[%get3A_248, %get3A_249] {strides = array<i32>} : memref<32x128xf32, #tpu.memory_space<vmem>>, vector<1x16xf32>,
    %get3A_251 = vector.shape_cast %get3A_250 : vector<1x16xf32> to vector<16xf32>
    %swap3A_252 = arith.constant 11 : i32
    %swap3A_253 = arith.index_cast %swap3A_252 : i32 to index
    %swap3A_254 = arith.constant 0 : index
    %swap3A_255 = tpu.vector_load %arg7[%swap3A_253, %swap3A_254] {strides = array<i32>} : memref<32x32xf32, #tpu.memory_space<vmem>>, vector<1x16xf32>,
    %swap3A_256 = vector.shape_cast %swap3A_255 : vector<1x16xf32> to vector<16xf32>
    %swap3A_257 = vector.shape_cast %get3A_251 : vector<16xf32> to vector<1x16xf32>
    tpu.vector_store %arg7[%swap3A_253, %swap3A_254], %swap3A_257 {strides = array<i32>} : memref<32x32xf32, #tpu.memory_space<vmem>>, vector<1x16xf32>,
    %get3A_258 = arith.constant 11 : i32
    %get3A_259 = arith.index_cast %get3A_258 : i32 to index
    %get3A_260 = arith.constant 16 : index
    %get3A_261 = tpu.vector_load %arg6[%get3A_259, %get3A_260] {strides = array<i32>} : memref<32x128xf32, #tpu.memory_space<vmem>>, vector<1x16xf32>,
    %get3A_262 = vector.shape_cast %get3A_261 : vector<1x16xf32> to vector<16xf32>
    %swap3A_263 = arith.constant 11 : i32
    %swap3A_264 = arith.index_cast %swap3A_263 : i32 to index
    %swap3A_265 = arith.constant 16 : index
    %swap3A_266 = tpu.vector_load %arg7[%swap3A_264, %swap3A_265] {strides = array<i32>} : memref<32x32xf32, #tpu.memory_space<vmem>>, vector<1x16xf32>,
    %swap3A_267 = vector.shape_cast %swap3A_266 : vector<1x16xf32> to vector<16xf32>
    %swap3A_268 = vector.shape_cast %get3A_262 : vector<16xf32> to vector<1x16xf32>
    tpu.vector_store %arg7[%swap3A_264, %swap3A_265], %swap3A_268 {strides = array<i32>} : memref<32x32xf32, #tpu.memory_space<vmem>>, vector<1x16xf32>,
    %get3A_269 = arith.constant 12 : i32
    %get3A_270 = arith.index_cast %get3A_269 : i32 to index
    %get3A_271 = arith.constant 0 : index
    %get3A_272 = tpu.vector_load %arg6[%get3A_270, %get3A_271] {strides = array<i32>} : memref<32x128xf32, #tpu.memory_space<vmem>>, vector<1x16xf32>,
    %get3A_273 = vector.shape_cast %get3A_272 : vector<1x16xf32> to vector<16xf32>
    %swap3A_274 = arith.constant 12 : i32
    %swap3A_275 = arith.index_cast %swap3A_274 : i32 to index
    %swap3A_276 = arith.constant 0 : index
    %swap3A_277 = tpu.vector_load %arg7[%swap3A_275, %swap3A_276] {strides = array<i32>} : memref<32x32xf32, #tpu.memory_space<vmem>>, vector<1x16xf32>,
    %swap3A_278 = vector.shape_cast %swap3A_277 : vector<1x16xf32> to vector<16xf32>
    %swap3A_279 = vector.shape_cast %get3A_273 : vector<16xf32> to vector<1x16xf32>
    tpu.vector_store %arg7[%swap3A_275, %swap3A_276], %swap3A_279 {strides = array<i32>} : memref<32x32xf32, #tpu.memory_space<vmem>>, vector<1x16xf32>,
    %get3A_280 = arith.constant 12 : i32
    %get3A_281 = arith.index_cast %get3A_280 : i32 to index
    %get3A_282 = arith.constant 16 : index
    %get3A_283 = tpu.vector_load %arg6[%get3A_281, %get3A_282] {strides = array<i32>} : memref<32x128xf32, #tpu.memory_space<vmem>>, vector<1x16xf32>,
    %get3A_284 = vector.shape_cast %get3A_283 : vector<1x16xf32> to vector<16xf32>
    %swap3A_285 = arith.constant 12 : i32
    %swap3A_286 = arith.index_cast %swap3A_285 : i32 to index
    %swap3A_287 = arith.constant 16 : index
    %swap3A_288 = tpu.vector_load %arg7[%swap3A_286, %swap3A_287] {strides = array<i32>} : memref<32x32xf32, #tpu.memory_space<vmem>>, vector<1x16xf32>,
    %swap3A_289 = vector.shape_cast %swap3A_288 : vector<1x16xf32> to vector<16xf32>
    %swap3A_290 = vector.shape_cast %get3A_284 : vector<16xf32> to vector<1x16xf32>
    tpu.vector_store %arg7[%swap3A_286, %swap3A_287], %swap3A_290 {strides = array<i32>} : memref<32x32xf32, #tpu.memory_space<vmem>>, vector<1x16xf32>,
    %get3A_291 = arith.constant 13 : i32
    %get3A_292 = arith.index_cast %get3A_291 : i32 to index
    %get3A_293 = arith.constant 0 : index
    %get3A_294 = tpu.vector_load %arg6[%get3A_292, %get3A_293] {strides = array<i32>} : memref<32x128xf32, #tpu.memory_space<vmem>>, vector<1x16xf32>,
    %get3A_295 = vector.shape_cast %get3A_294 : vector<1x16xf32> to vector<16xf32>
    %swap3A_296 = arith.constant 13 : i32
    %swap3A_297 = arith.index_cast %swap3A_296 : i32 to index
    %swap3A_298 = arith.constant 0 : index
    %swap3A_299 = tpu.vector_load %arg7[%swap3A_297, %swap3A_298] {strides = array<i32>} : memref<32x32xf32, #tpu.memory_space<vmem>>, vector<1x16xf32>,
    %swap3A_300 = vector.shape_cast %swap3A_299 : vector<1x16xf32> to vector<16xf32>
    %swap3A_301 = vector.shape_cast %get3A_295 : vector<16xf32> to vector<1x16xf32>
    tpu.vector_store %arg7[%swap3A_297, %swap3A_298], %swap3A_301 {strides = array<i32>} : memref<32x32xf32, #tpu.memory_space<vmem>>, vector<1x16xf32>,
    %get3A_302 = arith.constant 13 : i32
    %get3A_303 = arith.index_cast %get3A_302 : i32 to index
    %get3A_304 = arith.constant 16 : index
    %get3A_305 = tpu.vector_load %arg6[%get3A_303, %get3A_304] {strides = array<i32>} : memref<32x128xf32, #tpu.memory_space<vmem>>, vector<1x16xf32>,
    %get3A_306 = vector.shape_cast %get3A_305 : vector<1x16xf32> to vector<16xf32>
    %swap3A_307 = arith.constant 13 : i32
    %swap3A_308 = arith.index_cast %swap3A_307 : i32 to index
    %swap3A_309 = arith.constant 16 : index
    %swap3A_310 = tpu.vector_load %arg7[%swap3A_308, %swap3A_309] {strides = array<i32>} : memref<32x32xf32, #tpu.memory_space<vmem>>, vector<1x16xf32>,
    %swap3A_311 = vector.shape_cast %swap3A_310 : vector<1x16xf32> to vector<16xf32>
    %swap3A_312 = vector.shape_cast %get3A_306 : vector<16xf32> to vector<1x16xf32>
    tpu.vector_store %arg7[%swap3A_308, %swap3A_309], %swap3A_312 {strides = array<i32>} : memref<32x32xf32, #tpu.memory_space<vmem>>, vector<1x16xf32>,
    %get3A_313 = arith.constant 14 : i32
    %get3A_314 = arith.index_cast %get3A_313 : i32 to index
    %get3A_315 = arith.constant 0 : index
    %get3A_316 = tpu.vector_load %arg6[%get3A_314, %get3A_315] {strides = array<i32>} : memref<32x128xf32, #tpu.memory_space<vmem>>, vector<1x16xf32>,
    %get3A_317 = vector.shape_cast %get3A_316 : vector<1x16xf32> to vector<16xf32>
    %swap3A_318 = arith.constant 14 : i32
    %swap3A_319 = arith.index_cast %swap3A_318 : i32 to index
    %swap3A_320 = arith.constant 0 : index
    %swap3A_321 = tpu.vector_load %arg7[%swap3A_319, %swap3A_320] {strides = array<i32>} : memref<32x32xf32, #tpu.memory_space<vmem>>, vector<1x16xf32>,
    %swap3A_322 = vector.shape_cast %swap3A_321 : vector<1x16xf32> to vector<16xf32>
    %swap3A_323 = vector.shape_cast %get3A_317 : vector<16xf32> to vector<1x16xf32>
    tpu.vector_store %arg7[%swap3A_319, %swap3A_320], %swap3A_323 {strides = array<i32>} : memref<32x32xf32, #tpu.memory_space<vmem>>, vector<1x16xf32>,
    %get3A_324 = arith.constant 14 : i32
    %get3A_325 = arith.index_cast %get3A_324 : i32 to index
    %get3A_326 = arith.constant 16 : index
    %get3A_327 = tpu.vector_load %arg6[%get3A_325, %get3A_326] {strides = array<i32>} : memref<32x128xf32, #tpu.memory_space<vmem>>, vector<1x16xf32>,
    %get3A_328 = vector.shape_cast %get3A_327 : vector<1x16xf32> to vector<16xf32>
    %swap3A_329 = arith.constant 14 : i32
    %swap3A_330 = arith.index_cast %swap3A_329 : i32 to index
    %swap3A_331 = arith.constant 16 : index
    %swap3A_332 = tpu.vector_load %arg7[%swap3A_330, %swap3A_331] {strides = array<i32>} : memref<32x32xf32, #tpu.memory_space<vmem>>, vector<1x16xf32>,
    %swap3A_333 = vector.shape_cast %swap3A_332 : vector<1x16xf32> to vector<16xf32>
    %swap3A_334 = vector.shape_cast %get3A_328 : vector<16xf32> to vector<1x16xf32>
    tpu.vector_store %arg7[%swap3A_330, %swap3A_331], %swap3A_334 {strides = array<i32>} : memref<32x32xf32, #tpu.memory_space<vmem>>, vector<1x16xf32>,
    %get3A_335 = arith.constant 15 : i32
    %get3A_336 = arith.index_cast %get3A_335 : i32 to index
    %get3A_337 = arith.constant 0 : index
    %get3A_338 = tpu.vector_load %arg6[%get3A_336, %get3A_337] {strides = array<i32>} : memref<32x128xf32, #tpu.memory_space<vmem>>, vector<1x16xf32>,
    %get3A_339 = vector.shape_cast %get3A_338 : vector<1x16xf32> to vector<16xf32>
    %swap3A_340 = arith.constant 15 : i32
    %swap3A_341 = arith.index_cast %swap3A_340 : i32 to index
    %swap3A_342 = arith.constant 0 : index
    %swap3A_343 = tpu.vector_load %arg7[%swap3A_341, %swap3A_342] {strides = array<i32>} : memref<32x32xf32, #tpu.memory_space<vmem>>, vector<1x16xf32>,
    %swap3A_344 = vector.shape_cast %swap3A_343 : vector<1x16xf32> to vector<16xf32>
    %swap3A_345 = vector.shape_cast %get3A_339 : vector<16xf32> to vector<1x16xf32>
    tpu.vector_store %arg7[%swap3A_341, %swap3A_342], %swap3A_345 {strides = array<i32>} : memref<32x32xf32, #tpu.memory_space<vmem>>, vector<1x16xf32>,
    %get3A_346 = arith.constant 15 : i32
    %get3A_347 = arith.index_cast %get3A_346 : i32 to index
    %get3A_348 = arith.constant 16 : index
    %get3A_349 = tpu.vector_load %arg6[%get3A_347, %get3A_348] {strides = array<i32>} : memref<32x128xf32, #tpu.memory_space<vmem>>, vector<1x16xf32>,
    %get3A_350 = vector.shape_cast %get3A_349 : vector<1x16xf32> to vector<16xf32>
    %swap3A_351 = arith.constant 15 : i32
    %swap3A_352 = arith.index_cast %swap3A_351 : i32 to index
    %swap3A_353 = arith.constant 16 : index
    %swap3A_354 = tpu.vector_load %arg7[%swap3A_352, %swap3A_353] {strides = array<i32>} : memref<32x32xf32, #tpu.memory_space<vmem>>, vector<1x16xf32>,
    %swap3A_355 = vector.shape_cast %swap3A_354 : vector<1x16xf32> to vector<16xf32>
    %swap3A_356 = vector.shape_cast %get3A_350 : vector<16xf32> to vector<1x16xf32>
    tpu.vector_store %arg7[%swap3A_352, %swap3A_353], %swap3A_356 {strides = array<i32>} : memref<32x32xf32, #tpu.memory_space<vmem>>, vector<1x16xf32>,
    %get3A_357 = arith.constant 16 : i32
    %get3A_358 = arith.index_cast %get3A_357 : i32 to index
    %get3A_359 = arith.constant 0 : index
    %get3A_360 = tpu.vector_load %arg6[%get3A_358, %get3A_359] {strides = array<i32>} : memref<32x128xf32, #tpu.memory_space<vmem>>, vector<1x16xf32>,
    %get3A_361 = vector.shape_cast %get3A_360 : vector<1x16xf32> to vector<16xf32>
    %swap3A_362 = arith.constant 16 : i32
    %swap3A_363 = arith.index_cast %swap3A_362 : i32 to index
    %swap3A_364 = arith.constant 0 : index
    %swap3A_365 = tpu.vector_load %arg7[%swap3A_363, %swap3A_364] {strides = array<i32>} : memref<32x32xf32, #tpu.memory_space<vmem>>, vector<1x16xf32>,
    %swap3A_366 = vector.shape_cast %swap3A_365 : vector<1x16xf32> to vector<16xf32>
    %swap3A_367 = vector.shape_cast %get3A_361 : vector<16xf32> to vector<1x16xf32>
    tpu.vector_store %arg7[%swap3A_363, %swap3A_364], %swap3A_367 {strides = array<i32>} : memref<32x32xf32, #tpu.memory_space<vmem>>, vector<1x16xf32>,
    %get3A_368 = arith.constant 16 : i32
    %get3A_369 = arith.index_cast %get3A_368 : i32 to index
    %get3A_370 = arith.constant 16 : index
    %get3A_371 = tpu.vector_load %arg6[%get3A_369, %get3A_370] {strides = array<i32>} : memref<32x128xf32, #tpu.memory_space<vmem>>, vector<1x16xf32>,
    %get3A_372 = vector.shape_cast %get3A_371 : vector<1x16xf32> to vector<16xf32>
    %swap3A_373 = arith.constant 16 : i32
    %swap3A_374 = arith.index_cast %swap3A_373 : i32 to index
    %swap3A_375 = arith.constant 16 : index
    %swap3A_376 = tpu.vector_load %arg7[%swap3A_374, %swap3A_375] {strides = array<i32>} : memref<32x32xf32, #tpu.memory_space<vmem>>, vector<1x16xf32>,
    %swap3A_377 = vector.shape_cast %swap3A_376 : vector<1x16xf32> to vector<16xf32>
    %swap3A_378 = vector.shape_cast %get3A_372 : vector<16xf32> to vector<1x16xf32>
    tpu.vector_store %arg7[%swap3A_374, %swap3A_375], %swap3A_378 {strides = array<i32>} : memref<32x32xf32, #tpu.memory_space<vmem>>, vector<1x16xf32>,
    %get3A_379 = arith.constant 17 : i32
    %get3A_380 = arith.index_cast %get3A_379 : i32 to index
    %get3A_381 = arith.constant 0 : index
    %get3A_382 = tpu.vector_load %arg6[%get3A_380, %get3A_381] {strides = array<i32>} : memref<32x128xf32, #tpu.memory_space<vmem>>, vector<1x16xf32>,
    %get3A_383 = vector.shape_cast %get3A_382 : vector<1x16xf32> to vector<16xf32>
    %swap3A_384 = arith.constant 17 : i32
    %swap3A_385 = arith.index_cast %swap3A_384 : i32 to index
    %swap3A_386 = arith.constant 0 : index
    %swap3A_387 = tpu.vector_load %arg7[%swap3A_385, %swap3A_386] {strides = array<i32>} : memref<32x32xf32, #tpu.memory_space<vmem>>, vector<1x16xf32>,
    %swap3A_388 = vector.shape_cast %swap3A_387 : vector<1x16xf32> to vector<16xf32>
    %swap3A_389 = vector.shape_cast %get3A_383 : vector<16xf32> to vector<1x16xf32>
    tpu.vector_store %arg7[%swap3A_385, %swap3A_386], %swap3A_389 {strides = array<i32>} : memref<32x32xf32, #tpu.memory_space<vmem>>, vector<1x16xf32>,
    %get3A_390 = arith.constant 17 : i32
    %get3A_391 = arith.index_cast %get3A_390 : i32 to index
    %get3A_392 = arith.constant 16 : index
    %get3A_393 = tpu.vector_load %arg6[%get3A_391, %get3A_392] {strides = array<i32>} : memref<32x128xf32, #tpu.memory_space<vmem>>, vector<1x16xf32>,
    %get3A_394 = vector.shape_cast %get3A_393 : vector<1x16xf32> to vector<16xf32>
    %swap3A_395 = arith.constant 17 : i32
    %swap3A_396 = arith.index_cast %swap3A_395 : i32 to index
    %swap3A_397 = arith.constant 16 : index
    %swap3A_398 = tpu.vector_load %arg7[%swap3A_396, %swap3A_397] {strides = array<i32>} : memref<32x32xf32, #tpu.memory_space<vmem>>, vector<1x16xf32>,
    %swap3A_399 = vector.shape_cast %swap3A_398 : vector<1x16xf32> to vector<16xf32>
    %swap3A_400 = vector.shape_cast %get3A_394 : vector<16xf32> to vector<1x16xf32>
    tpu.vector_store %arg7[%swap3A_396, %swap3A_397], %swap3A_400 {strides = array<i32>} : memref<32x32xf32, #tpu.memory_space<vmem>>, vector<1x16xf32>,
    %get3A_401 = arith.constant 18 : i32
    %get3A_402 = arith.index_cast %get3A_401 : i32 to index
    %get3A_403 = arith.constant 0 : index
    %get3A_404 = tpu.vector_load %arg6[%get3A_402, %get3A_403] {strides = array<i32>} : memref<32x128xf32, #tpu.memory_space<vmem>>, vector<1x16xf32>,
    %get3A_405 = vector.shape_cast %get3A_404 : vector<1x16xf32> to vector<16xf32>
    %swap3A_406 = arith.constant 18 : i32
    %swap3A_407 = arith.index_cast %swap3A_406 : i32 to index
    %swap3A_408 = arith.constant 0 : index
    %swap3A_409 = tpu.vector_load %arg7[%swap3A_407, %swap3A_408] {strides = array<i32>} : memref<32x32xf32, #tpu.memory_space<vmem>>, vector<1x16xf32>,
    %swap3A_410 = vector.shape_cast %swap3A_409 : vector<1x16xf32> to vector<16xf32>
    %swap3A_411 = vector.shape_cast %get3A_405 : vector<16xf32> to vector<1x16xf32>
    tpu.vector_store %arg7[%swap3A_407, %swap3A_408], %swap3A_411 {strides = array<i32>} : memref<32x32xf32, #tpu.memory_space<vmem>>, vector<1x16xf32>,
    %get3A_412 = arith.constant 18 : i32
    %get3A_413 = arith.index_cast %get3A_412 : i32 to index
    %get3A_414 = arith.constant 16 : index
    %get3A_415 = tpu.vector_load %arg6[%get3A_413, %get3A_414] {strides = array<i32>} : memref<32x128xf32, #tpu.memory_space<vmem>>, vector<1x16xf32>,
    %get3A_416 = vector.shape_cast %get3A_415 : vector<1x16xf32> to vector<16xf32>
    %swap3A_417 = arith.constant 18 : i32
    %swap3A_418 = arith.index_cast %swap3A_417 : i32 to index
    %swap3A_419 = arith.constant 16 : index
    %swap3A_420 = tpu.vector_load %arg7[%swap3A_418, %swap3A_419] {strides = array<i32>} : memref<32x32xf32, #tpu.memory_space<vmem>>, vector<1x16xf32>,
    %swap3A_421 = vector.shape_cast %swap3A_420 : vector<1x16xf32> to vector<16xf32>
    %swap3A_422 = vector.shape_cast %get3A_416 : vector<16xf32> to vector<1x16xf32>
    tpu.vector_store %arg7[%swap3A_418, %swap3A_419], %swap3A_422 {strides = array<i32>} : memref<32x32xf32, #tpu.memory_space<vmem>>, vector<1x16xf32>,
    %get3A_423 = arith.constant 19 : i32
    %get3A_424 = arith.index_cast %get3A_423 : i32 to index
    %get3A_425 = arith.constant 0 : index
    %get3A_426 = tpu.vector_load %arg6[%get3A_424, %get3A_425] {strides = array<i32>} : memref<32x128xf32, #tpu.memory_space<vmem>>, vector<1x16xf32>,
    %get3A_427 = vector.shape_cast %get3A_426 : vector<1x16xf32> to vector<16xf32>
    %swap3A_428 = arith.constant 19 : i32
    %swap3A_429 = arith.index_cast %swap3A_428 : i32 to index
    %swap3A_430 = arith.constant 0 : index
    %swap3A_431 = tpu.vector_load %arg7[%swap3A_429, %swap3A_430] {strides = array<i32>} : memref<32x32xf32, #tpu.memory_space<vmem>>, vector<1x16xf32>,
    %swap3A_432 = vector.shape_cast %swap3A_431 : vector<1x16xf32> to vector<16xf32>
    %swap3A_433 = vector.shape_cast %get3A_427 : vector<16xf32> to vector<1x16xf32>
    tpu.vector_store %arg7[%swap3A_429, %swap3A_430], %swap3A_433 {strides = array<i32>} : memref<32x32xf32, #tpu.memory_space<vmem>>, vector<1x16xf32>,
    %get3A_434 = arith.constant 19 : i32
    %get3A_435 = arith.index_cast %get3A_434 : i32 to index
    %get3A_436 = arith.constant 16 : index
    %get3A_437 = tpu.vector_load %arg6[%get3A_435, %get3A_436] {strides = array<i32>} : memref<32x128xf32, #tpu.memory_space<vmem>>, vector<1x16xf32>,
    %get3A_438 = vector.shape_cast %get3A_437 : vector<1x16xf32> to vector<16xf32>
    %swap3A_439 = arith.constant 19 : i32
    %swap3A_440 = arith.index_cast %swap3A_439 : i32 to index
    %swap3A_441 = arith.constant 16 : index
    %swap3A_442 = tpu.vector_load %arg7[%swap3A_440, %swap3A_441] {strides = array<i32>} : memref<32x32xf32, #tpu.memory_space<vmem>>, vector<1x16xf32>,
    %swap3A_443 = vector.shape_cast %swap3A_442 : vector<1x16xf32> to vector<16xf32>
    %swap3A_444 = vector.shape_cast %get3A_438 : vector<16xf32> to vector<1x16xf32>
    tpu.vector_store %arg7[%swap3A_440, %swap3A_441], %swap3A_444 {strides = array<i32>} : memref<32x32xf32, #tpu.memory_space<vmem>>, vector<1x16xf32>,
    %get3A_445 = arith.constant 20 : i32
    %get3A_446 = arith.index_cast %get3A_445 : i32 to index
    %get3A_447 = arith.constant 0 : index
    %get3A_448 = tpu.vector_load %arg6[%get3A_446, %get3A_447] {strides = array<i32>} : memref<32x128xf32, #tpu.memory_space<vmem>>, vector<1x16xf32>,
    %get3A_449 = vector.shape_cast %get3A_448 : vector<1x16xf32> to vector<16xf32>
    %swap3A_450 = arith.constant 20 : i32
    %swap3A_451 = arith.index_cast %swap3A_450 : i32 to index
    %swap3A_452 = arith.constant 0 : index
    %swap3A_453 = tpu.vector_load %arg7[%swap3A_451, %swap3A_452] {strides = array<i32>} : memref<32x32xf32, #tpu.memory_space<vmem>>, vector<1x16xf32>,
    %swap3A_454 = vector.shape_cast %swap3A_453 : vector<1x16xf32> to vector<16xf32>
    %swap3A_455 = vector.shape_cast %get3A_449 : vector<16xf32> to vector<1x16xf32>
    tpu.vector_store %arg7[%swap3A_451, %swap3A_452], %swap3A_455 {strides = array<i32>} : memref<32x32xf32, #tpu.memory_space<vmem>>, vector<1x16xf32>,
    %get3A_456 = arith.constant 20 : i32
    %get3A_457 = arith.index_cast %get3A_456 : i32 to index
    %get3A_458 = arith.constant 16 : index
    %get3A_459 = tpu.vector_load %arg6[%get3A_457, %get3A_458] {strides = array<i32>} : memref<32x128xf32, #tpu.memory_space<vmem>>, vector<1x16xf32>,
    %get3A_460 = vector.shape_cast %get3A_459 : vector<1x16xf32> to vector<16xf32>
    %swap3A_461 = arith.constant 20 : i32
    %swap3A_462 = arith.index_cast %swap3A_461 : i32 to index
    %swap3A_463 = arith.constant 16 : index
    %swap3A_464 = tpu.vector_load %arg7[%swap3A_462, %swap3A_463] {strides = array<i32>} : memref<32x32xf32, #tpu.memory_space<vmem>>, vector<1x16xf32>,
    %swap3A_465 = vector.shape_cast %swap3A_464 : vector<1x16xf32> to vector<16xf32>
    %swap3A_466 = vector.shape_cast %get3A_460 : vector<16xf32> to vector<1x16xf32>
    tpu.vector_store %arg7[%swap3A_462, %swap3A_463], %swap3A_466 {strides = array<i32>} : memref<32x32xf32, #tpu.memory_space<vmem>>, vector<1x16xf32>,
    %get3A_467 = arith.constant 21 : i32
    %get3A_468 = arith.index_cast %get3A_467 : i32 to index
    %get3A_469 = arith.constant 0 : index
    %get3A_470 = tpu.vector_load %arg6[%get3A_468, %get3A_469] {strides = array<i32>} : memref<32x128xf32, #tpu.memory_space<vmem>>, vector<1x16xf32>,
    %get3A_471 = vector.shape_cast %get3A_470 : vector<1x16xf32> to vector<16xf32>
    %swap3A_472 = arith.constant 21 : i32
    %swap3A_473 = arith.index_cast %swap3A_472 : i32 to index
    %swap3A_474 = arith.constant 0 : index
    %swap3A_475 = tpu.vector_load %arg7[%swap3A_473, %swap3A_474] {strides = array<i32>} : memref<32x32xf32, #tpu.memory_space<vmem>>, vector<1x16xf32>,
    %swap3A_476 = vector.shape_cast %swap3A_475 : vector<1x16xf32> to vector<16xf32>
    %swap3A_477 = vector.shape_cast %get3A_471 : vector<16xf32> to vector<1x16xf32>
    tpu.vector_store %arg7[%swap3A_473, %swap3A_474], %swap3A_477 {strides = array<i32>} : memref<32x32xf32, #tpu.memory_space<vmem>>, vector<1x16xf32>,
    %get3A_478 = arith.constant 21 : i32
    %get3A_479 = arith.index_cast %get3A_478 : i32 to index
    %get3A_480 = arith.constant 16 : index
    %get3A_481 = tpu.vector_load %arg6[%get3A_479, %get3A_480] {strides = array<i32>} : memref<32x128xf32, #tpu.memory_space<vmem>>, vector<1x16xf32>,
    %get3A_482 = vector.shape_cast %get3A_481 : vector<1x16xf32> to vector<16xf32>
    %swap3A_483 = arith.constant 21 : i32
    %swap3A_484 = arith.index_cast %swap3A_483 : i32 to index
    %swap3A_485 = arith.constant 16 : index
    %swap3A_486 = tpu.vector_load %arg7[%swap3A_484, %swap3A_485] {strides = array<i32>} : memref<32x32xf32, #tpu.memory_space<vmem>>, vector<1x16xf32>,
    %swap3A_487 = vector.shape_cast %swap3A_486 : vector<1x16xf32> to vector<16xf32>
    %swap3A_488 = vector.shape_cast %get3A_482 : vector<16xf32> to vector<1x16xf32>
    tpu.vector_store %arg7[%swap3A_484, %swap3A_485], %swap3A_488 {strides = array<i32>} : memref<32x32xf32, #tpu.memory_space<vmem>>, vector<1x16xf32>,
    %get3A_489 = arith.constant 22 : i32
    %get3A_490 = arith.index_cast %get3A_489 : i32 to index
    %get3A_491 = arith.constant 0 : index
    %get3A_492 = tpu.vector_load %arg6[%get3A_490, %get3A_491] {strides = array<i32>} : memref<32x128xf32, #tpu.memory_space<vmem>>, vector<1x16xf32>,
    %get3A_493 = vector.shape_cast %get3A_492 : vector<1x16xf32> to vector<16xf32>
    %swap3A_494 = arith.constant 22 : i32
    %swap3A_495 = arith.index_cast %swap3A_494 : i32 to index
    %swap3A_496 = arith.constant 0 : index
    %swap3A_497 = tpu.vector_load %arg7[%swap3A_495, %swap3A_496] {strides = array<i32>} : memref<32x32xf32, #tpu.memory_space<vmem>>, vector<1x16xf32>,
    %swap3A_498 = vector.shape_cast %swap3A_497 : vector<1x16xf32> to vector<16xf32>
    %swap3A_499 = vector.shape_cast %get3A_493 : vector<16xf32> to vector<1x16xf32>
    tpu.vector_store %arg7[%swap3A_495, %swap3A_496], %swap3A_499 {strides = array<i32>} : memref<32x32xf32, #tpu.memory_space<vmem>>, vector<1x16xf32>,
    %get3A_500 = arith.constant 22 : i32
    %get3A_501 = arith.index_cast %get3A_500 : i32 to index
    %get3A_502 = arith.constant 16 : index
    %get3A_503 = tpu.vector_load %arg6[%get3A_501, %get3A_502] {strides = array<i32>} : memref<32x128xf32, #tpu.memory_space<vmem>>, vector<1x16xf32>,
    %get3A_504 = vector.shape_cast %get3A_503 : vector<1x16xf32> to vector<16xf32>
    %swap3A_505 = arith.constant 22 : i32
    %swap3A_506 = arith.index_cast %swap3A_505 : i32 to index
    %swap3A_507 = arith.constant 16 : index
    %swap3A_508 = tpu.vector_load %arg7[%swap3A_506, %swap3A_507] {strides = array<i32>} : memref<32x32xf32, #tpu.memory_space<vmem>>, vector<1x16xf32>,
    %swap3A_509 = vector.shape_cast %swap3A_508 : vector<1x16xf32> to vector<16xf32>
    %swap3A_510 = vector.shape_cast %get3A_504 : vector<16xf32> to vector<1x16xf32>
    tpu.vector_store %arg7[%swap3A_506, %swap3A_507], %swap3A_510 {strides = array<i32>} : memref<32x32xf32, #tpu.memory_space<vmem>>, vector<1x16xf32>,
    %get3A_511 = arith.constant 23 : i32
    %get3A_512 = arith.index_cast %get3A_511 : i32 to index
    %get3A_513 = arith.constant 0 : index
    %get3A_514 = tpu.vector_load %arg6[%get3A_512, %get3A_513] {strides = array<i32>} : memref<32x128xf32, #tpu.memory_space<vmem>>, vector<1x16xf32>,
    %get3A_515 = vector.shape_cast %get3A_514 : vector<1x16xf32> to vector<16xf32>
    %swap3A_516 = arith.constant 23 : i32
    %swap3A_517 = arith.index_cast %swap3A_516 : i32 to index
    %swap3A_518 = arith.constant 0 : index
    %swap3A_519 = tpu.vector_load %arg7[%swap3A_517, %swap3A_518] {strides = array<i32>} : memref<32x32xf32, #tpu.memory_space<vmem>>, vector<1x16xf32>,
    %swap3A_520 = vector.shape_cast %swap3A_519 : vector<1x16xf32> to vector<16xf32>
    %swap3A_521 = vector.shape_cast %get3A_515 : vector<16xf32> to vector<1x16xf32>
    tpu.vector_store %arg7[%swap3A_517, %swap3A_518], %swap3A_521 {strides = array<i32>} : memref<32x32xf32, #tpu.memory_space<vmem>>, vector<1x16xf32>,
    %get3A_522 = arith.constant 23 : i32
    %get3A_523 = arith.index_cast %get3A_522 : i32 to index
    %get3A_524 = arith.constant 16 : index
    %get3A_525 = tpu.vector_load %arg6[%get3A_523, %get3A_524] {strides = array<i32>} : memref<32x128xf32, #tpu.memory_space<vmem>>, vector<1x16xf32>,
    %get3A_526 = vector.shape_cast %get3A_525 : vector<1x16xf32> to vector<16xf32>
    %swap3A_527 = arith.constant 23 : i32
    %swap3A_528 = arith.index_cast %swap3A_527 : i32 to index
    %swap3A_529 = arith.constant 16 : index
    %swap3A_530 = tpu.vector_load %arg7[%swap3A_528, %swap3A_529] {strides = array<i32>} : memref<32x32xf32, #tpu.memory_space<vmem>>, vector<1x16xf32>,
    %swap3A_531 = vector.shape_cast %swap3A_530 : vector<1x16xf32> to vector<16xf32>
    %swap3A_532 = vector.shape_cast %get3A_526 : vector<16xf32> to vector<1x16xf32>
    tpu.vector_store %arg7[%swap3A_528, %swap3A_529], %swap3A_532 {strides = array<i32>} : memref<32x32xf32, #tpu.memory_space<vmem>>, vector<1x16xf32>,
    %get3A_533 = arith.constant 24 : i32
    %get3A_534 = arith.index_cast %get3A_533 : i32 to index
    %get3A_535 = arith.constant 0 : index
    %get3A_536 = tpu.vector_load %arg6[%get3A_534, %get3A_535] {strides = array<i32>} : memref<32x128xf32, #tpu.memory_space<vmem>>, vector<1x16xf32>,
    %get3A_537 = vector.shape_cast %get3A_536 : vector<1x16xf32> to vector<16xf32>
    %swap3A_538 = arith.constant 24 : i32
    %swap3A_539 = arith.index_cast %swap3A_538 : i32 to index
    %swap3A_540 = arith.constant 0 : index
    %swap3A_541 = tpu.vector_load %arg7[%swap3A_539, %swap3A_540] {strides = array<i32>} : memref<32x32xf32, #tpu.memory_space<vmem>>, vector<1x16xf32>,
    %swap3A_542 = vector.shape_cast %swap3A_541 : vector<1x16xf32> to vector<16xf32>
    %swap3A_543 = vector.shape_cast %get3A_537 : vector<16xf32> to vector<1x16xf32>
    tpu.vector_store %arg7[%swap3A_539, %swap3A_540], %swap3A_543 {strides = array<i32>} : memref<32x32xf32, #tpu.memory_space<vmem>>, vector<1x16xf32>,
    %get3A_544 = arith.constant 24 : i32
    %get3A_545 = arith.index_cast %get3A_544 : i32 to index
    %get3A_546 = arith.constant 16 : index
    %get3A_547 = tpu.vector_load %arg6[%get3A_545, %get3A_546] {strides = array<i32>} : memref<32x128xf32, #tpu.memory_space<vmem>>, vector<1x16xf32>,
    %get3A_548 = vector.shape_cast %get3A_547 : vector<1x16xf32> to vector<16xf32>
    %swap3A_549 = arith.constant 24 : i32
    %swap3A_550 = arith.index_cast %swap3A_549 : i32 to index
    %swap3A_551 = arith.constant 16 : index
    %swap3A_552 = tpu.vector_load %arg7[%swap3A_550, %swap3A_551] {strides = array<i32>} : memref<32x32xf32, #tpu.memory_space<vmem>>, vector<1x16xf32>,
    %swap3A_553 = vector.shape_cast %swap3A_552 : vector<1x16xf32> to vector<16xf32>
    %swap3A_554 = vector.shape_cast %get3A_548 : vector<16xf32> to vector<1x16xf32>
    tpu.vector_store %arg7[%swap3A_550, %swap3A_551], %swap3A_554 {strides = array<i32>} : memref<32x32xf32, #tpu.memory_space<vmem>>, vector<1x16xf32>,
    %get3A_555 = arith.constant 25 : i32
    %get3A_556 = arith.index_cast %get3A_555 : i32 to index
    %get3A_557 = arith.constant 0 : index
    %get3A_558 = tpu.vector_load %arg6[%get3A_556, %get3A_557] {strides = array<i32>} : memref<32x128xf32, #tpu.memory_space<vmem>>, vector<1x16xf32>,
    %get3A_559 = vector.shape_cast %get3A_558 : vector<1x16xf32> to vector<16xf32>
    %swap3A_560 = arith.constant 25 : i32
    %swap3A_561 = arith.index_cast %swap3A_560 : i32 to index
    %swap3A_562 = arith.constant 0 : index
    %swap3A_563 = tpu.vector_load %arg7[%swap3A_561, %swap3A_562] {strides = array<i32>} : memref<32x32xf32, #tpu.memory_space<vmem>>, vector<1x16xf32>,
    %swap3A_564 = vector.shape_cast %swap3A_563 : vector<1x16xf32> to vector<16xf32>
    %swap3A_565 = vector.shape_cast %get3A_559 : vector<16xf32> to vector<1x16xf32>
    tpu.vector_store %arg7[%swap3A_561, %swap3A_562], %swap3A_565 {strides = array<i32>} : memref<32x32xf32, #tpu.memory_space<vmem>>, vector<1x16xf32>,
    %get3A_566 = arith.constant 25 : i32
    %get3A_567 = arith.index_cast %get3A_566 : i32 to index
    %get3A_568 = arith.constant 16 : index
    %get3A_569 = tpu.vector_load %arg6[%get3A_567, %get3A_568] {strides = array<i32>} : memref<32x128xf32, #tpu.memory_space<vmem>>, vector<1x16xf32>,
    %get3A_570 = vector.shape_cast %get3A_569 : vector<1x16xf32> to vector<16xf32>
    %swap3A_571 = arith.constant 25 : i32
    %swap3A_572 = arith.index_cast %swap3A_571 : i32 to index
    %swap3A_573 = arith.constant 16 : index
    %swap3A_574 = tpu.vector_load %arg7[%swap3A_572, %swap3A_573] {strides = array<i32>} : memref<32x32xf32, #tpu.memory_space<vmem>>, vector<1x16xf32>,
    %swap3A_575 = vector.shape_cast %swap3A_574 : vector<1x16xf32> to vector<16xf32>
    %swap3A_576 = vector.shape_cast %get3A_570 : vector<16xf32> to vector<1x16xf32>
    tpu.vector_store %arg7[%swap3A_572, %swap3A_573], %swap3A_576 {strides = array<i32>} : memref<32x32xf32, #tpu.memory_space<vmem>>, vector<1x16xf32>,
    %get3A_577 = arith.constant 26 : i32
    %get3A_578 = arith.index_cast %get3A_577 : i32 to index
    %get3A_579 = arith.constant 0 : index
    %get3A_580 = tpu.vector_load %arg6[%get3A_578, %get3A_579] {strides = array<i32>} : memref<32x128xf32, #tpu.memory_space<vmem>>, vector<1x16xf32>,
    %get3A_581 = vector.shape_cast %get3A_580 : vector<1x16xf32> to vector<16xf32>
    %swap3A_582 = arith.constant 26 : i32
    %swap3A_583 = arith.index_cast %swap3A_582 : i32 to index
    %swap3A_584 = arith.constant 0 : index
    %swap3A_585 = tpu.vector_load %arg7[%swap3A_583, %swap3A_584] {strides = array<i32>} : memref<32x32xf32, #tpu.memory_space<vmem>>, vector<1x16xf32>,
    %swap3A_586 = vector.shape_cast %swap3A_585 : vector<1x16xf32> to vector<16xf32>
    %swap3A_587 = vector.shape_cast %get3A_581 : vector<16xf32> to vector<1x16xf32>
    tpu.vector_store %arg7[%swap3A_583, %swap3A_584], %swap3A_587 {strides = array<i32>} : memref<32x32xf32, #tpu.memory_space<vmem>>, vector<1x16xf32>,
    %get3A_588 = arith.constant 26 : i32
    %get3A_589 = arith.index_cast %get3A_588 : i32 to index
    %get3A_590 = arith.constant 16 : index
    %get3A_591 = tpu.vector_load %arg6[%get3A_589, %get3A_590] {strides = array<i32>} : memref<32x128xf32, #tpu.memory_space<vmem>>, vector<1x16xf32>,
    %get3A_592 = vector.shape_cast %get3A_591 : vector<1x16xf32> to vector<16xf32>
    %swap3A_593 = arith.constant 26 : i32
    %swap3A_594 = arith.index_cast %swap3A_593 : i32 to index
    %swap3A_595 = arith.constant 16 : index
    %swap3A_596 = tpu.vector_load %arg7[%swap3A_594, %swap3A_595] {strides = array<i32>} : memref<32x32xf32, #tpu.memory_space<vmem>>, vector<1x16xf32>,
    %swap3A_597 = vector.shape_cast %swap3A_596 : vector<1x16xf32> to vector<16xf32>
    %swap3A_598 = vector.shape_cast %get3A_592 : vector<16xf32> to vector<1x16xf32>
    tpu.vector_store %arg7[%swap3A_594, %swap3A_595], %swap3A_598 {strides = array<i32>} : memref<32x32xf32, #tpu.memory_space<vmem>>, vector<1x16xf32>,
    %get3A_599 = arith.constant 27 : i32
    %get3A_600 = arith.index_cast %get3A_599 : i32 to index
    %get3A_601 = arith.constant 0 : index
    %get3A_602 = tpu.vector_load %arg6[%get3A_600, %get3A_601] {strides = array<i32>} : memref<32x128xf32, #tpu.memory_space<vmem>>, vector<1x16xf32>,
    %get3A_603 = vector.shape_cast %get3A_602 : vector<1x16xf32> to vector<16xf32>
    %swap3A_604 = arith.constant 27 : i32
    %swap3A_605 = arith.index_cast %swap3A_604 : i32 to index
    %swap3A_606 = arith.constant 0 : index
    %swap3A_607 = tpu.vector_load %arg7[%swap3A_605, %swap3A_606] {strides = array<i32>} : memref<32x32xf32, #tpu.memory_space<vmem>>, vector<1x16xf32>,
    %swap3A_608 = vector.shape_cast %swap3A_607 : vector<1x16xf32> to vector<16xf32>
    %swap3A_609 = vector.shape_cast %get3A_603 : vector<16xf32> to vector<1x16xf32>
    tpu.vector_store %arg7[%swap3A_605, %swap3A_606], %swap3A_609 {strides = array<i32>} : memref<32x32xf32, #tpu.memory_space<vmem>>, vector<1x16xf32>,
    %get3A_610 = arith.constant 27 : i32
    %get3A_611 = arith.index_cast %get3A_610 : i32 to index
    %get3A_612 = arith.constant 16 : index
    %get3A_613 = tpu.vector_load %arg6[%get3A_611, %get3A_612] {strides = array<i32>} : memref<32x128xf32, #tpu.memory_space<vmem>>, vector<1x16xf32>,
    %get3A_614 = vector.shape_cast %get3A_613 : vector<1x16xf32> to vector<16xf32>
    %swap3A_615 = arith.constant 27 : i32
    %swap3A_616 = arith.index_cast %swap3A_615 : i32 to index
    %swap3A_617 = arith.constant 16 : index
    %swap3A_618 = tpu.vector_load %arg7[%swap3A_616, %swap3A_617] {strides = array<i32>} : memref<32x32xf32, #tpu.memory_space<vmem>>, vector<1x16xf32>,
    %swap3A_619 = vector.shape_cast %swap3A_618 : vector<1x16xf32> to vector<16xf32>
    %swap3A_620 = vector.shape_cast %get3A_614 : vector<16xf32> to vector<1x16xf32>
    tpu.vector_store %arg7[%swap3A_616, %swap3A_617], %swap3A_620 {strides = array<i32>} : memref<32x32xf32, #tpu.memory_space<vmem>>, vector<1x16xf32>,
    %get3A_621 = arith.constant 28 : i32
    %get3A_622 = arith.index_cast %get3A_621 : i32 to index
    %get3A_623 = arith.constant 0 : index
    %get3A_624 = tpu.vector_load %arg6[%get3A_622, %get3A_623] {strides = array<i32>} : memref<32x128xf32, #tpu.memory_space<vmem>>, vector<1x16xf32>,
    %get3A_625 = vector.shape_cast %get3A_624 : vector<1x16xf32> to vector<16xf32>
    %swap3A_626 = arith.constant 28 : i32
    %swap3A_627 = arith.index_cast %swap3A_626 : i32 to index
    %swap3A_628 = arith.constant 0 : index
    %swap3A_629 = tpu.vector_load %arg7[%swap3A_627, %swap3A_628] {strides = array<i32>} : memref<32x32xf32, #tpu.memory_space<vmem>>, vector<1x16xf32>,
    %swap3A_630 = vector.shape_cast %swap3A_629 : vector<1x16xf32> to vector<16xf32>
    %swap3A_631 = vector.shape_cast %get3A_625 : vector<16xf32> to vector<1x16xf32>
    tpu.vector_store %arg7[%swap3A_627, %swap3A_628], %swap3A_631 {strides = array<i32>} : memref<32x32xf32, #tpu.memory_space<vmem>>, vector<1x16xf32>,
    %get3A_632 = arith.constant 28 : i32
    %get3A_633 = arith.index_cast %get3A_632 : i32 to index
    %get3A_634 = arith.constant 16 : index
    %get3A_635 = tpu.vector_load %arg6[%get3A_633, %get3A_634] {strides = array<i32>} : memref<32x128xf32, #tpu.memory_space<vmem>>, vector<1x16xf32>,
    %get3A_636 = vector.shape_cast %get3A_635 : vector<1x16xf32> to vector<16xf32>
    %swap3A_637 = arith.constant 28 : i32
    %swap3A_638 = arith.index_cast %swap3A_637 : i32 to index
    %swap3A_639 = arith.constant 16 : index
    %swap3A_640 = tpu.vector_load %arg7[%swap3A_638, %swap3A_639] {strides = array<i32>} : memref<32x32xf32, #tpu.memory_space<vmem>>, vector<1x16xf32>,
    %swap3A_641 = vector.shape_cast %swap3A_640 : vector<1x16xf32> to vector<16xf32>
    %swap3A_642 = vector.shape_cast %get3A_636 : vector<16xf32> to vector<1x16xf32>
    tpu.vector_store %arg7[%swap3A_638, %swap3A_639], %swap3A_642 {strides = array<i32>} : memref<32x32xf32, #tpu.memory_space<vmem>>, vector<1x16xf32>,
    %get3A_643 = arith.constant 29 : i32
    %get3A_644 = arith.index_cast %get3A_643 : i32 to index
    %get3A_645 = arith.constant 0 : index
    %get3A_646 = tpu.vector_load %arg6[%get3A_644, %get3A_645] {strides = array<i32>} : memref<32x128xf32, #tpu.memory_space<vmem>>, vector<1x16xf32>,
    %get3A_647 = vector.shape_cast %get3A_646 : vector<1x16xf32> to vector<16xf32>
    %swap3A_648 = arith.constant 29 : i32
    %swap3A_649 = arith.index_cast %swap3A_648 : i32 to index
    %swap3A_650 = arith.constant 0 : index
    %swap3A_651 = tpu.vector_load %arg7[%swap3A_649, %swap3A_650] {strides = array<i32>} : memref<32x32xf32, #tpu.memory_space<vmem>>, vector<1x16xf32>,
    %swap3A_652 = vector.shape_cast %swap3A_651 : vector<1x16xf32> to vector<16xf32>
    %swap3A_653 = vector.shape_cast %get3A_647 : vector<16xf32> to vector<1x16xf32>
    tpu.vector_store %arg7[%swap3A_649, %swap3A_650], %swap3A_653 {strides = array<i32>} : memref<32x32xf32, #tpu.memory_space<vmem>>, vector<1x16xf32>,
    %get3A_654 = arith.constant 29 : i32
    %get3A_655 = arith.index_cast %get3A_654 : i32 to index
    %get3A_656 = arith.constant 16 : index
    %get3A_657 = tpu.vector_load %arg6[%get3A_655, %get3A_656] {strides = array<i32>} : memref<32x128xf32, #tpu.memory_space<vmem>>, vector<1x16xf32>,
    %get3A_658 = vector.shape_cast %get3A_657 : vector<1x16xf32> to vector<16xf32>
    %swap3A_659 = arith.constant 29 : i32
    %swap3A_660 = arith.index_cast %swap3A_659 : i32 to index
    %swap3A_661 = arith.constant 16 : index
    %swap3A_662 = tpu.vector_load %arg7[%swap3A_660, %swap3A_661] {strides = array<i32>} : memref<32x32xf32, #tpu.memory_space<vmem>>, vector<1x16xf32>,
    %swap3A_663 = vector.shape_cast %swap3A_662 : vector<1x16xf32> to vector<16xf32>
    %swap3A_664 = vector.shape_cast %get3A_658 : vector<16xf32> to vector<1x16xf32>
    tpu.vector_store %arg7[%swap3A_660, %swap3A_661], %swap3A_664 {strides = array<i32>} : memref<32x32xf32, #tpu.memory_space<vmem>>, vector<1x16xf32>,
    %get3A_665 = arith.constant 30 : i32
    %get3A_666 = arith.index_cast %get3A_665 : i32 to index
    %get3A_667 = arith.constant 0 : index
    %get3A_668 = tpu.vector_load %arg6[%get3A_666, %get3A_667] {strides = array<i32>} : memref<32x128xf32, #tpu.memory_space<vmem>>, vector<1x16xf32>,
    %get3A_669 = vector.shape_cast %get3A_668 : vector<1x16xf32> to vector<16xf32>
    %swap3A_670 = arith.constant 30 : i32
    %swap3A_671 = arith.index_cast %swap3A_670 : i32 to index
    %swap3A_672 = arith.constant 0 : index
    %swap3A_673 = tpu.vector_load %arg7[%swap3A_671, %swap3A_672] {strides = array<i32>} : memref<32x32xf32, #tpu.memory_space<vmem>>, vector<1x16xf32>,
    %swap3A_674 = vector.shape_cast %swap3A_673 : vector<1x16xf32> to vector<16xf32>
    %swap3A_675 = vector.shape_cast %get3A_669 : vector<16xf32> to vector<1x16xf32>
    tpu.vector_store %arg7[%swap3A_671, %swap3A_672], %swap3A_675 {strides = array<i32>} : memref<32x32xf32, #tpu.memory_space<vmem>>, vector<1x16xf32>,
    %get3A_676 = arith.constant 30 : i32
    %get3A_677 = arith.index_cast %get3A_676 : i32 to index
    %get3A_678 = arith.constant 16 : index
    %get3A_679 = tpu.vector_load %arg6[%get3A_677, %get3A_678] {strides = array<i32>} : memref<32x128xf32, #tpu.memory_space<vmem>>, vector<1x16xf32>,
    %get3A_680 = vector.shape_cast %get3A_679 : vector<1x16xf32> to vector<16xf32>
    %swap3A_681 = arith.constant 30 : i32
    %swap3A_682 = arith.index_cast %swap3A_681 : i32 to index
    %swap3A_683 = arith.constant 16 : index
    %swap3A_684 = tpu.vector_load %arg7[%swap3A_682, %swap3A_683] {strides = array<i32>} : memref<32x32xf32, #tpu.memory_space<vmem>>, vector<1x16xf32>,
    %swap3A_685 = vector.shape_cast %swap3A_684 : vector<1x16xf32> to vector<16xf32>
    %swap3A_686 = vector.shape_cast %get3A_680 : vector<16xf32> to vector<1x16xf32>
    tpu.vector_store %arg7[%swap3A_682, %swap3A_683], %swap3A_686 {strides = array<i32>} : memref<32x32xf32, #tpu.memory_space<vmem>>, vector<1x16xf32>,
    %get3A_687 = arith.constant 31 : i32
    %get3A_688 = arith.index_cast %get3A_687 : i32 to index
    %get3A_689 = arith.constant 0 : index
    %get3A_690 = tpu.vector_load %arg6[%get3A_688, %get3A_689] {strides = array<i32>} : memref<32x128xf32, #tpu.memory_space<vmem>>, vector<1x16xf32>,
    %get3A_691 = vector.shape_cast %get3A_690 : vector<1x16xf32> to vector<16xf32>
    %swap3A_692 = arith.constant 31 : i32
    %swap3A_693 = arith.index_cast %swap3A_692 : i32 to index
    %swap3A_694 = arith.constant 0 : index
    %swap3A_695 = tpu.vector_load %arg7[%swap3A_693, %swap3A_694] {strides = array<i32>} : memref<32x32xf32, #tpu.memory_space<vmem>>, vector<1x16xf32>,
    %swap3A_696 = vector.shape_cast %swap3A_695 : vector<1x16xf32> to vector<16xf32>
    %swap3A_697 = vector.shape_cast %get3A_691 : vector<16xf32> to vector<1x16xf32>
    tpu.vector_store %arg7[%swap3A_693, %swap3A_694], %swap3A_697 {strides = array<i32>} : memref<32x32xf32, #tpu.memory_space<vmem>>, vector<1x16xf32>,
    %get3A_698 = arith.constant 31 : i32
    %get3A_699 = arith.index_cast %get3A_698 : i32 to index
    %get3A_700 = arith.constant 16 : index
    %get3A_701 = tpu.vector_load %arg6[%get3A_699, %get3A_700] {strides = array<i32>} : memref<32x128xf32, #tpu.memory_space<vmem>>, vector<1x16xf32>,
    %get3A_702 = vector.shape_cast %get3A_701 : vector<1x16xf32> to vector<16xf32>
    %swap3A_703 = arith.constant 31 : i32
    %swap3A_704 = arith.index_cast %swap3A_703 : i32 to index
    %swap3A_705 = arith.constant 16 : index
    %swap3A_706 = tpu.vector_load %arg7[%swap3A_704, %swap3A_705] {strides = array<i32>} : memref<32x32xf32, #tpu.memory_space<vmem>>, vector<1x16xf32>,
    %swap3A_707 = vector.shape_cast %swap3A_706 : vector<1x16xf32> to vector<16xf32>
    %swap3A_708 = vector.shape_cast %get3A_702 : vector<16xf32> to vector<1x16xf32>
    tpu.vector_store %arg7[%swap3A_704, %swap3A_705], %swap3A_708 {strides = array<i32>} : memref<32x32xf32, #tpu.memory_space<vmem>>, vector<1x16xf32>,
    "tpu.region"() ({
      %run_scoped3A = tpu.sem_alloc : memref<!tpu.dma_semaphore, #tpu.memory_space<semaphore_mem>>
      %dma_start3A_709 = arith.constant 0 : i32
      %dma_start3A_710 = tpu.memref_slice %arg4[%mul3A_2, %dma_start3A_709] : memref<512x32xf32, #tpu.memory_space<hbm>> -> memref<32x32xf32, #tpu.memory_space<hbm>>
      %dma_start3A_711 = arith.constant 0 : i32
      %dma_start3A_712 = tpu.memref_slice %arg4[%mul3A_2, %dma_start3A_711] : memref<512x32xf32, #tpu.memory_space<hbm>> -> memref<32x32xf32, #tpu.memory_space<hbm>>
      tpu.enqueue_dma source(%arg7 : memref<32x32xf32, #tpu.memory_space<vmem>>) target(%dma_start3A_712 : memref<32x32xf32, #tpu.memory_space<hbm>>) target_semaphore(%run_scoped3A : memref<!tpu.dma_semaphore, #tpu.memory_space<semaphore_mem>>)
      %dma_wait3A_713 = arith.constant 0 : i32
      %dma_wait3A_714 = tpu.memref_slice %arg4[%mul3A_2, %dma_wait3A_713] : memref<512x32xf32, #tpu.memory_space<hbm>> -> memref<32x32xf32, #tpu.memory_space<hbm>>
      %dma_wait3A_715 = arith.constant 0 : i32
      %dma_wait3A_716 = tpu.memref_slice %arg4[%mul3A_2, %dma_wait3A_715] : memref<512x32xf32, #tpu.memory_space<hbm>> -> memref<32x32xf32, #tpu.memory_space<hbm>>
      tpu.wait_dma2 semaphore(%run_scoped3A : memref<!tpu.dma_semaphore, #tpu.memory_space<semaphore_mem>>) src(%arg7 : memref<32x32xf32, #tpu.memory_space<vmem>>) dst(%dma_wait3A_716 : memref<32x32xf32, #tpu.memory_space<hbm>>)
      tpu.yield
    }) : () -> ()
    return
  }
}

module attributes {stable_mosaic.version = 14 : i64} {
  func.func @_score_body(%arg0: i32, %arg1: memref<512x32xf32, #tpu.memory_space<vmem>>, %arg2: memref<32x2048xf32, #tpu.memory_space<vmem>>, %arg3: memref<1x512xi32, #tpu.memory_space<vmem>>, %arg4: memref<2048x128xf32, #tpu.memory_space<vmem>>, %arg5: memref<32x512xf32, #tpu.memory_space<vmem>>, %arg6: memref<1x512xf32, #tpu.memory_space<vmem>>, %arg7: memref<1x512xf32, #tpu.memory_space<vmem>>) attributes {dimension_semantics = [#tpu.dimension_semantics<arbitrary>], iteration_bounds = array<i64: 4>, scalar_prefetch = 0 : i64, scratch_operands = 3 : i64, tpu.core_type = #tpu.core_type<tc>, window_params = [{pipeline_mode = #tpu.pipeline_mode<synchronous>, transform_indices = @transform_0, window_bounds = array<i64: 512, 32>}, {transform_indices = @transform_1, window_bounds = array<i64: 32, 2048>}, {pipeline_mode = #tpu.pipeline_mode<synchronous>, transform_indices = @transform_2, window_bounds = array<i64: 1, 512>}, {transform_indices = @transform_3, window_bounds = array<i64: 2048, 128>}]} {
    %eq3A = arith.constant 0 : i32
    %eq3A_0 = arith.cmpi eq, %arg0, %eq3A : i32
    %convert_element_type3A = arith.extui %eq3A_0 : i1 to i32
    %cond3A = arith.constant 0 : i32
    %cond3A_1 = arith.cmpi ne, %convert_element_type3A, %cond3A : i32
    scf.if %cond3A_1 {
      %broadcast_in_dim3A_42 = arith.constant 0x7F800000 : f32
      %broadcast_in_dim3A_43 = vector.broadcast %broadcast_in_dim3A_42 : f32 to vector<1x512xf32>
      %swap3A_44 = arith.constant 0 : index
      %swap3A_45 = arith.constant 0 : index
      %swap3A_46 = vector.load %arg6[%swap3A_44, %swap3A_45] : memref<1x512xf32, #tpu.memory_space<vmem>>, vector<1x512xf32>
      tpu.vector_store %arg6[%swap3A_44, %swap3A_45], %broadcast_in_dim3A_43 {strides = array<i32>} : memref<1x512xf32, #tpu.memory_space<vmem>>, vector<1x512xf32>,
      %broadcast_in_dim3A_47 = arith.constant 0.000000e+00 : f32
      %broadcast_in_dim3A_48 = vector.broadcast %broadcast_in_dim3A_47 : f32 to vector<1x512xf32>
      %swap3A_49 = arith.constant 0 : index
      %swap3A_50 = arith.constant 0 : index
      %swap3A_51 = vector.load %arg7[%swap3A_49, %swap3A_50] : memref<1x512xf32, #tpu.memory_space<vmem>>, vector<1x512xf32>
      tpu.vector_store %arg7[%swap3A_49, %swap3A_50], %broadcast_in_dim3A_48 {strides = array<i32>} : memref<1x512xf32, #tpu.memory_space<vmem>>, vector<1x512xf32>,
      %get3A_52 = arith.constant 0 : index
      %get3A_53 = arith.constant 0 : index
      %get3A_54 = vector.load %arg1[%get3A_52, %get3A_53] : memref<512x32xf32, #tpu.memory_space<vmem>>, vector<512x32xf32>
      %transpose3A_55 = tpu.transpose %get3A_54, [1, 0] : vector<512x32xf32> -> vector<32x512xf32>
      %mul3A_56 = arith.constant -2.000000e+00 : f32
      %mul3A_57 = vector.broadcast %mul3A_56 : f32 to vector<32x512xf32>
      %mul3A_58 = arith.mulf %mul3A_57, %transpose3A_55 : vector<32x512xf32>
      %swap3A_59 = arith.constant 0 : index
      %swap3A_60 = arith.constant 0 : index
      %swap3A_61 = vector.load %arg5[%swap3A_59, %swap3A_60] : memref<32x512xf32, #tpu.memory_space<vmem>>, vector<32x512xf32>
      tpu.vector_store %arg5[%swap3A_59, %swap3A_60], %mul3A_58 {strides = array<i32>} : memref<32x512xf32, #tpu.memory_space<vmem>>, vector<32x512xf32>,
    } else {
    }
    %get3A = arith.constant 0 : index
    %get3A_2 = arith.constant 0 : index
    %get3A_3 = vector.load %arg2[%get3A, %get3A_2] : memref<32x2048xf32, #tpu.memory_space<vmem>>, vector<32x2048xf32>
    %transpose3A = tpu.transpose %get3A_3, [1, 0] : vector<32x2048xf32> -> vector<2048x32xf32>
    %swap3A = arith.constant 0 : index
    %swap3A_4 = arith.constant 0 : index
    %swap3A_5 = vector.load %arg4[%swap3A, %swap3A_4] : memref<2048x128xf32, #tpu.memory_space<vmem>>, vector<2048x32xf32>
    tpu.vector_store %arg4[%swap3A, %swap3A_4], %transpose3A {strides = array<i32>} : memref<2048x128xf32, #tpu.memory_space<vmem>>, vector<2048x32xf32>,
    %mul3A = arith.mulf %get3A_3, %get3A_3 : vector<32x2048xf32>
    %reduce_sum3A = arith.constant dense<0.000000e+00> : vector<2048xf32>
    %reduce_sum3A_6 = vector.multi_reduction <add>, %mul3A, %reduce_sum3A [0] : vector<32x2048xf32> to vector<2048xf32>
    %broadcast_in_dim3A = vector.shape_cast %reduce_sum3A_6 : vector<2048xf32> to vector<2048x1xf32>
    %get3A_7 = arith.constant 0 : index
    %get3A_8 = arith.constant 0 : index
    %get3A_9 = vector.load %arg5[%get3A_7, %get3A_8] : memref<32x512xf32, #tpu.memory_space<vmem>>, vector<32x512xf32>
    %dot_general3A = arith.constant dense<0.000000e+00> : vector<2048x512xf32>
    %dot_general3A_10 = tpu.matmul %get3A_3, %get3A_9, %dot_general3A {dimension_numbers = #tpu.dot_dimension_numbers<[0], [0], [1], [1], [0, 1, 1, 1], [], []>, precision = #tpu.contract_precision<fp32>, transpose_lhs_hint = false} : vector<32x2048xf32>, vector<32x512xf32>, vector<2048x512xf32> -> vector<2048x512xf32>
    %add3A = vector.broadcast %broadcast_in_dim3A : vector<2048x1xf32> to vector<2048x512xf32>
    %add3A_11 = arith.addf %dot_general3A_10, %add3A : vector<2048x512xf32>
    %reduce_min3A = arith.constant dense<0x7F800000> : vector<512xf32>
    %reduce_min3A_12 = vector.multi_reduction <minimumf>, %add3A_11, %reduce_min3A [0] : vector<2048x512xf32> to vector<512xf32>
    %broadcast_in_dim3A_13 = vector.shape_cast %reduce_min3A_12 : vector<512xf32> to vector<1x512xf32>
    %argmin3A = tpu.reduce_index %add3A_11 {axis = 0 : i32, kind = #tpu.reduction_kind<arg_min>} : vector<2048x512xf32> -> vector<512xi32>
    %broadcast_in_dim3A_14 = vector.shape_cast %argmin3A : vector<512xi32> to vector<1x512xi32>
    %convert_element_type3A_15 = arith.sitofp %broadcast_in_dim3A_14 : vector<1x512xi32> to vector<1x512xf32>
    %mul3A_16 = arith.constant 2048 : i32
    %mul3A_17 = arith.muli %arg0, %mul3A_16 : i32
    %convert_element_type3A_18 = arith.sitofp %mul3A_17 : i32 to f32
    %add3A_19 = vector.broadcast %convert_element_type3A_18 : f32 to vector<1x512xf32>
    %add3A_20 = arith.addf %convert_element_type3A_15, %add3A_19 : vector<1x512xf32>
    %get3A_21 = arith.constant 0 : index
    %get3A_22 = arith.constant 0 : index
    %get3A_23 = vector.load %arg6[%get3A_21, %get3A_22] : memref<1x512xf32, #tpu.memory_space<vmem>>, vector<1x512xf32>
    %lt3A = arith.cmpf olt, %broadcast_in_dim3A_13, %get3A_23 : vector<1x512xf32>
    %get3A_24 = arith.constant 0 : index
    %get3A_25 = arith.constant 0 : index
    %get3A_26 = vector.load %arg6[%get3A_24, %get3A_25] : memref<1x512xf32, #tpu.memory_space<vmem>>, vector<1x512xf32>
    %select_n3A = arith.select %lt3A, %broadcast_in_dim3A_13, %get3A_26 : vector<1x512xi1>, vector<1x512xf32>
    %swap3A_27 = arith.constant 0 : index
    %swap3A_28 = arith.constant 0 : index
    %swap3A_29 = vector.load %arg6[%swap3A_27, %swap3A_28] : memref<1x512xf32, #tpu.memory_space<vmem>>, vector<1x512xf32>
    tpu.vector_store %arg6[%swap3A_27, %swap3A_28], %select_n3A {strides = array<i32>} : memref<1x512xf32, #tpu.memory_space<vmem>>, vector<1x512xf32>,
    %get3A_30 = arith.constant 0 : index
    %get3A_31 = arith.constant 0 : index
    %get3A_32 = vector.load %arg7[%get3A_30, %get3A_31] : memref<1x512xf32, #tpu.memory_space<vmem>>, vector<1x512xf32>
    %select_n3A_33 = arith.select %lt3A, %add3A_20, %get3A_32 : vector<1x512xi1>, vector<1x512xf32>
    %swap3A_34 = arith.constant 0 : index
    %swap3A_35 = arith.constant 0 : index
    %swap3A_36 = vector.load %arg7[%swap3A_34, %swap3A_35] : memref<1x512xf32, #tpu.memory_space<vmem>>, vector<1x512xf32>
    tpu.vector_store %arg7[%swap3A_34, %swap3A_35], %select_n3A_33 {strides = array<i32>} : memref<1x512xf32, #tpu.memory_space<vmem>>, vector<1x512xf32>,
    %eq3A_37 = arith.constant 3 : i32
    %eq3A_38 = arith.cmpi eq, %arg0, %eq3A_37 : i32
    %convert_element_type3A_39 = arith.extui %eq3A_38 : i1 to i32
    %cond3A_40 = arith.constant 0 : i32
    %cond3A_41 = arith.cmpi ne, %convert_element_type3A_39, %cond3A_40 : i32
    scf.if %cond3A_41 {
      %get3A_42 = arith.constant 0 : index
      %get3A_43 = arith.constant 0 : index
      %get3A_44 = vector.load %arg7[%get3A_42, %get3A_43] : memref<1x512xf32, #tpu.memory_space<vmem>>, vector<1x512xf32>
      %convert_element_type3A_45 = arith.fptosi %get3A_44 : vector<1x512xf32> to vector<1x512xi32>
      %swap3A_46 = arith.constant 0 : index
      %swap3A_47 = arith.constant 0 : index
      %swap3A_48 = vector.load %arg3[%swap3A_46, %swap3A_47] : memref<1x512xi32, #tpu.memory_space<vmem>>, vector<1x512xi32>
      tpu.vector_store %arg3[%swap3A_46, %swap3A_47], %convert_element_type3A_45 {strides = array<i32>} : memref<1x512xi32, #tpu.memory_space<vmem>>, vector<1x512xi32>,
    } else {
    }
    return
  }
  func.func @transform_0(%arg0: i32) -> (i32, i32) {
    %c0_i32 = arith.constant 0 : i32
    %c0_i32_0 = arith.constant 0 : i32
    %c0_i32_1 = arith.constant 0 : i32
    return %c0_i32, %c0_i32_0 : i32, i32
  }
  func.func @transform_1(%arg0: i32) -> (i32, i32) {
    %c0_i32 = arith.constant 0 : i32
    %c0_i32_0 = arith.constant 0 : i32
    return %c0_i32, %arg0 : i32, i32
  }
  func.func @transform_2(%arg0: i32) -> (i32, i32) {
    %c0_i32 = arith.constant 0 : i32
    %c0_i32_0 = arith.constant 0 : i32
    %c0_i32_1 = arith.constant 0 : i32
    return %c0_i32, %c0_i32_0 : i32, i32
  }
  func.func @transform_3(%arg0: i32) -> (i32, i32) {
    %c0_i32 = arith.constant 0 : i32
    %c0_i32_0 = arith.constant 0 : i32
    return %arg0, %c0_i32 : i32, i32
  }
}

</mosaic_0001>

<sc_bundles>
// kernel: kernel.4.cloned.1.call-start
scs
__scs_entry_jumppad:
0x0: {  	(pc) =	sbr.rel $0x88, $3  }
0x1: {  	(tag) =	ssettag $0x0;
	lr =	simm.s32 $0x1  }
0x2: {  	[smem:$0x3F9F] =	sst lr;
	_ =	strace $0xD0000000  }
0x3: {  	_ = 	snop  }
0x4: {  	_ = 	snop  }
0x5: {  	_ = 	snop  }
0x6: {  	_ = 	snop  }
0x7: {  	_ = 	snop  }
__scs_overlays_trampoline_lowered:
0x8: {  	[smem:$0x3FAE] =	sst s0  }
0x9: {  	[smem:$0x3FAF] =	sst s1  }
0xa: {  	[smem:$0x3FB0] =	sst s2  }
0xb: {  	[smem:$0x3FB1] =	sst s3  }
0xc: {  	[smem:$0x3FB2] =	sst s4  }
0xd: {  	[smem:$0x3FB3] =	sst s5  }
0xe: {  	[smem:$0x3FB4] =	sst s6  }
0xf: {  	[smem:$0x3FB5] =	sst s7  }
0x10: {  	[smem:$0x3FB6] =	sst s8  }
0x11: {  	[smem:$0x3FB7] =	sst s9;
	s0 =	simm.s32 @!p0 $0x0  }
0x12: {  	s1 =	sld [smem:$0x3F9D];
	s0 =	simm.s32 @p0 $0x1  }
0x13: {  	[smem:$0x3FB8] =	sst s0;
	s0 =	simm.s32 @!p1 $0x0  }
0x14: {  	s2 =	sld [smem:$0x3F9C];
	s0 =	simm.s32 @p1 $0x1  }
0x15: {  	[smem:$0x3FB9] =	sst s0;
	s0 =	simm.s32 @!p2 $0x0  }
0x16: {  	s3 =	sld [smem:$0x3FDB];
	s0 =	simm.s32 @p2 $0x1  }
0x17: {  	s4 =	simm.s32 $0x1BF5;
	[smem:$0x3FBB] =	sst s0  }
0x18: {  	s0 =	sld [smem:$0x3F9E];
	_ =	swait.ge [sflag:s4], $0x0  }
0x19: {  	s7 =	sld [smem:$0x3F9F]  }
0x1a: {  	s8 =	sadd.s32 $0xFFFFE003, lr  }
0x1b: {  	s9 =	sadd.s32 $0xFFFFFEF7, lr;
	s5 =	simm.s32 $0xFFFFFFFF;
	p2 =	slt.u32 s8, $0xFFFFF086  }
0x1c: {  	p1 =	slt.u32 s9, $0xF7A;
	s5 =	simm.s32 @!p2 $0x0  }
0x1d: {  	s5 =	simm.s32 @p1 $0x1;
	p0 =	seq.s32 s7, s2  }
0x1e: {  	s7 =	smul.u32 @!p0 $0xF7A, s2;
	p2 =	seq.s32 @!p0 s5, $0x0  }
0x1f: {  	s9 =	smul.u32 $0xF7A, s1;
	s8 =	simm.s32 @!p0 $0x1BF5;
	p2 =	por !p2, p0  }
0x20: {  	[sflag:s8] =	ssyncset.s32 @!p0 $0xFFFFF086;
	s6 =	sadd.s32 @!p0 s3, s7;
	s7 =	simm.s32 @!p0 $0x108  }
0x21: {  	s3 =	sadd.s32 s3, s9;
	s6 =	sadd.s32 @!p0 $0x88, s6;
	s7 =	simm.s32 @p2 $0x1082  }
0x22: {  	[simem:s7], [sflag:s8] =	dma.local @!p0 [hbm:s6], $0xF7A  }
0x23: {  	s9 =	sor.u32 $0xD0000000, s2;
	s6 =	simm.s32 $0x108;
	_ =	swait.ge @!p0 [sflag:s8], $0x0  }
0x24: {  	s3 =	sadd.s32 $0x88, s3;
	s6 =	simm.s32 @!p1 $0x1082;
	[sflag:s4] =	ssyncset.s32 $0xFFFFF086  }
0x25: {  	[simem:s6], [sflag:s4] =	dma.local [hbm:s3], $0xF7A  }
0x26: {  	[smem:$0x3F9F] =	sst s1;
	(tag) =	ssettag s2;
	_ =	strace s9  }
0x27: {  	s1 =	sld [smem:$0x3FAF]  }
0x28: {  	s2 =	sld [smem:$0x3FB0]  }
0x29: {  	s4 =	sld [smem:$0x3FB2]  }
0x2a: {  	p0 =	seq.s32 s5, $0x0;
	s5 =	sld [smem:$0x3FB3]  }
0x2b: {  	s6 =	sld [smem:$0x3FB4]  }
0x2c: {  	s7 =	sld [smem:$0x3FB5]  }
0x2d: {  	s3 =	simm.s32 $0x108;
	s8 =	sld [smem:$0x3FB6]  }
0x2e: {  	s3 =	simm.s32 @!p0 $0x1082;
	s9 =	sld [smem:$0x3FB7]  }
0x2f: {  	lr =	sadd.s32 s0, s3;
	s0 =	sld [smem:$0x3FAE]  }
0x30: {  	s3 =	sld [smem:$0x3FB1]  }
0x31: {  	[smem:$0x3FBA] =	sst s10  }
0x32: {  	s10 =	sld [smem:$0x3FB8];
	_ =	sdelay $0x3  }
0x33: {  	p0 =	seq.s32 s10, $0x1;
	s10 =	sld [smem:$0x3FBA];
	_ =	sdelay $0x3  }
0x34: {  	[smem:$0x3FBA] =	sst s10  }
0x35: {  	s10 =	sld [smem:$0x3FB9];
	_ =	sdelay $0x3  }
0x36: {  	p1 =	seq.s32 s10, $0x1;
	s10 =	sld [smem:$0x3FBA];
	_ =	sdelay $0x3  }
0x37: {  	[smem:$0x3FBA] =	sst s10  }
0x38: {  	s10 =	sld [smem:$0x3FBB]  }
0x39: {  	_ = 	snop;
	(pc) =	sbr.ind lr, $3  }
0x3a: {  	_ = 	snop  }
0x3b: {  	_ = 	snop  }
0x3c: {  	p2 =	seq.s32 s10, $0x1;
	s10 =	sld [smem:$0x3FBA]  }
0x3d: {  	_ =	shalt  }
0x3e: {  	_ =	shalt  }
0x3f: {  	_ =	shalt  }
0x40: {  	_ =	shalt  }
0x41: {  	_ =	shalt  }
0x42: {  	_ =	shalt  }
0x43: {  	_ =	shalt  }
0x44: {  	_ =	shalt  }
0x45: {  	_ =	shalt  }
0x46: {  	_ =	shalt  }
0x47: {  	_ =	shalt  }
0x48: {  	_ =	shalt  }
0x49: {  	_ =	shalt  }
0x4a: {  	_ =	shalt  }
0x4b: {  	_ =	shalt  }
0x4c: {  	_ =	shalt  }
0x4d: {  	_ =	shalt  }
0x4e: {  	_ =	shalt  }
0x4f: {  	_ =	shalt  }
0x50: {  	_ =	shalt  }
0x51: {  	_ =	shalt  }
0x52: {  	_ =	shalt  }
0x53: {  	_ =	shalt  }
0x54: {  	_ =	shalt  }
0x55: {  	_ =	shalt  }
0x56: {  	_ =	shalt  }
0x57: {  	_ =	shalt  }
0x58: {  	_ =	shalt  }
0x59: {  	_ =	shalt  }
0x5a: {  	_ =	shalt  }
0x5b: {  	_ =	shalt  }
0x5c: {  	_ =	shalt  }
0x5d: {  	_ =	shalt  }
0x5e: {  	_ =	shalt  }
0x5f: {  	_ =	shalt  }
0x60: {  	_ =	shalt  }
0x61: {  	_ =	shalt  }
0x62: {  	_ =	shalt  }
0x63: {  	_ =	shalt  }
0x64: {  	_ =	shalt  }
0x65: {  	_ =	shalt  }
0x66: {  	_ =	shalt  }
0x67: {  	_ =	shalt  }
0x68: {  	_ =	shalt  }
0x69: {  	_ =	shalt  }
0x6a: {  	_ =	shalt  }
0x6b: {  	_ =	shalt  }
0x6c: {  	_ =	shalt  }
0x6d: {  	_ =	shalt  }
0x6e: {  	_ =	shalt  }
0x6f: {  	_ =	shalt  }
0x70: {  	_ =	shalt  }
0x71: {  	_ =	shalt  }
0x72: {  	_ =	shalt  }
0x73: {  	_ =	shalt  }
0x74: {  	_ =	shalt  }
0x75: {  	_ =	shalt  }
0x76: {  	_ =	shalt  }
0x77: {  	_ =	shalt  }
0x78: {  	_ =	shalt  }
0x79: {  	_ =	shalt  }
0x7a: {  	_ =	shalt  }
0x7b: {  	_ =	shalt  }
0x7c: {  	_ =	shalt  }
0x7d: {  	_ =	shalt  }
0x7e: {  	_ =	shalt  }
0x7f: {  	_ =	shalt  }
0x80: {  	_ =	shalt  }
0x81: {  	_ =	shalt  }
0x82: {  	_ =	shalt  }
0x83: {  	_ =	shalt  }
0x84: {  	_ =	shalt  }
0x85: {  	_ =	shalt  }
0x86: {  	_ =	shalt  }
0x87: {  	_ =	shalt  }
.Lfunc_end0:
.L_simem_size_0:
called_computation_lowered:
.L_overlay_start_0:
0x88: {  	s0 =	sld [smem:$0x3FD9]  }
0x89: {  	s1 =	sld [smem:$0x3FFE];
	_ =	sdelay $0x3  }
0x8a: {  	s0 =	sadd.s32 s1, s0  }
0x8b: {  	[smem:$0x3FC6] =	sst s0  }
0x8c: {  	_ = 	snop  }
0x8d: {  	s0 =	sld [smem:$0x3FD0];
	(tm) =	ssettm $0x1  }
0x8e: {  	s16 =	sld [smem:$0x3FFB];
	_ =	sdelay $0x3  }
0x8f: {  	_ =	strace s16  }
0x90: {  	s1 =	sld [smem:$0x3FFC];
	_ =	sdelay $0x3  }
0x91: {  	_ =	strace s1  }
0x92: {  	s1 =	sld [smem:$0x3FFD];
	_ =	sdelay $0x3  }
0x93: {  	_ =	strace s1  }
0x94: {  	_ =	strace $0x8FFFFFFF  }
0x95: {  	s17 =	sld [smem:$0x3FDB];
	_ =	sdelay $0x1  }
0x96: {  	s2 =	simm.s32 $_scs_section_size  }
0x97: {  	s3 =	simm.s32 $_size__tile_overlayer_lowered;
	s4 =	simm.s32 $_tile_overlayer_lowered  }
0x98: {  	s20 =	simm.s32 $0x1BFF;
	s19 =	sshll.u32 s4, $0x1;
	s1 =	sadd.s32 s2, s17  }
0x99: {  	s5 =	simm.s32 $0x0;
	s18 =	sshll.u32 s3, $0x1;
	s3 =	sadd.s32 s19, s1  }
0x9a: {  	[timem:s5], [sflag:s20] =	dma.local [hbm:s3], s18  }
0x9b: {  	_ =	swait.ge [sflag:s20], s18  }
0x9c: {  	s2 =	ssub.s32 $0x0, s18;
	[sflag:s20] =	ssyncset.done $0x0  }
0x9d: {  	[sflag:s20] =	ssyncadd.s32 s2;
	_ =	sdelay $0x1  }
0x9e: {  	s21 =	simm.s32 $0x1B8B  }
0x9f: {  	_ =	swait.ge [sflag:s21], $0x1  }
0xa0: {  	[sflag:s21] =	ssyncset.done $0x0  }
0xa1: {  	s23 =	simm.s32 $0x1B8E;
	s22 =	sld [smem:$0x3FFE];
	[sflag:s21] =	ssyncadd.s32 $0xFFFFFFFF  }
0xa2: {  	s24 =	simm.s32 $execute0_lowered;
	[smem:$0x3FD2] =	sst s23  }
0xa3: {  	s3 =	sshll.u32 s24, $0x1;
	_ =	strace $0x80000046;
	[dreg:$0x1] =	wrdreg $0xFFFFFFFF  }
0xa4: {  	s25 =	simm.s32 $_size_execute0_lowered;
	s1 =	sadd.s32 s1, s3;
	[dreg:$0x0] =	wrdreg $0x0  }
0xa5: {  	s3 =	sshll.u32 s25, $0x1;
	[dreg:$0x2] =	wrdreg s1  }
0xa6: {  	[dreg:$0x3] =	wrdreg s3  }
0xa7: {  	[dreg:$0x4] =	wrdreg $0xC0  }
0xa8: {  	_ =	task [dreg:s5], $0x5FFFF  }
0xa9: {  	[dreg:$0x1] =	wrdreg $0xFFFFFFFF  }
0xaa: {  	[dreg:$0x0] =	wrdreg $0x60  }
0xab: {  	[dreg:$0x2] =	wrdreg s22  }
0xac: {  	[dreg:$0x3] =	wrdreg s0  }
0xad: {  	[dreg:$0x4] =	wrdreg $0x9  }
0xae: {  	_ =	task.clear_ibuf [dreg:s5], $0x5FFFF;
	_ =	strace $0x90000046  }
0xaf: {  	s26 =	simm.s32 $0x9;
	_ =	strace $0x80000048  }
0xb0: {  	_ =	swait.ge [sflag:s26], $0x1  }
0xb1: {  	[sflag:s26] =	ssyncadd.s32 $0xFFFFFFFF  }
0xb2: {  	_ =	strace $0x90000048  }
0xb3: {  	_ =	sfence  }
0xb4: {  	s28 =	sld [smem:$0x0];
	_ =	sdelay $0x1  }
0xb5: {  	s29 =	srdreg.scid  }
0xb6: {  	s30 =	sshll.u32 s29, $0xD;
	s31 =	sshrl.u32 s29, $0x2  }
0xb7: {  	s2 =	sand.u32 $0x4000, s30;
	s1 =	sand.u32 $0x1, s29;
	s0 =	sadd.s32 s31, s28  }
0xb8: {  	s1 =	sor.u32 s2, s1;
	s0 =	sshll.u32 s0, $0x11  }
0xb9: {  	s0 =	sor.u32 s0, s1  }
0xba: {  	s0 =	sadd.s32 $0x8F2B, s0  }
0xbb: {  	[sflag:s0] =	ssyncadd.remote.s32 $0x1  }
0xbc: {  	_ =	sfence.sel $0xFFFF  }
0xbd: {  	[dreg:$0x0] =	wrdreg $0xFFFFFFFF;
	(pc) =	sbr.abs _section_cstart, $3  }
0xbe: {  	[dreg:$0x1] =	wrdreg $0xFFFFFFFF  }
0xbf: {  	_ =	task.clear_ibuf [dreg:s5], $0x2FFFF;
	_ =	strace $0x9FFFFFFF  }
0xc0: {  	(tm) =	ssettm $0x7FFFFFFF  }
0xc1: {  	_ =	shalt  }
tec
execute0_lowered:
.L_overlay_start_1:
0x0: {  	(tag) =	ssettag $0x1  }
0x1: {  	s5 =	rddreg [dreg:$0x0]  }
0x2: {  	s2 =	rddreg [dreg:$0x1];
	s1 =	stileid.u32  }
0x3: {  	s0 =	rddreg [dreg:$0x2];
	s3 =	simm.s32 $0x0;
	s4 =	sshll.u32 s1, $0x2  }
0x4: {  	[smem:$0x7FF] =	sst s3;
	s4 =	sadd.s32 s4, s5  }
0x5: {  	s28 =	simm.s32 $0x2;
	_ =	strace $0x80000047;
	s4 =	sadd.s32 $0x20E00, s4  }
0x6: {  	[tilespmem:s3], [sflag:$0x2] =	stream.linear.gather [hbm4b:s4+s3], $0x20, $0x38;
	[tilespmem:$0x2080] =	vst v63  }
0x7: {  	_ =	swait.ge [sflag:s28], $0x20  }
0x8: {  	s6 =	simm.s32 $0x20;
	s7 =	simm.s32 $0x80;
	[sflag:s28] =	ssyncset.done $0x0  }
0x9: {  	s29 =	simm.s32 $0x1;
	s5 =	sadd.s32 $0xE00, s5;
	[sflag:s28] =	ssyncadd.s32 $0xFFFFFFE0  }
0xa: {  	[tilespmem:s7], [sflag:$0x1] =	stream.indirect.gather [hbm4b:s5+s6], $0x80, s3, s6, $0xb8;
	[tilespmem:$0x2080] =	vst v63  }
0xb: {  	_ =	swait.ge [sflag:s29], $0x1000  }
0xc: {  	[sflag:s29] =	ssyncset.done $0x0  }
0xd: {  	[sflag:s29] =	ssyncadd.s32 $0xFFFFF000  }
0xe: {  	v0 =	vld [tilespmem:$0x80]  }
0xf: {  	v1 =	vld [tilespmem:$0x90]  }
0x10: {  	v2 =	vld [tilespmem:$0x100]  }
0x11: {  	v3 =	vld [tilespmem:$0x110]  }
0x12: {  	v4 =	vld [tilespmem:$0x180]  }
0x13: {  	v61 =	vld [tilespmem:$0x190];
	[tilespmem:$0x1080] =	vst v0  }
0x14: {  	v62 =	vld [tilespmem:$0x200];
	[tilespmem:$0x1090] =	vst v1  }
0x15: {  	v63 =	vld [tilespmem:$0x210];
	[tilespmem:$0x1100] =	vst v2  }
0x16: {  	v8 =	vld [tilespmem:$0x280];
	[tilespmem:$0x1110] =	vst v3  }
0x17: {  	v9 =	vld [tilespmem:$0x290];
	[tilespmem:$0x1180] =	vst v4  }
0x18: {  	v10 =	vld [tilespmem:$0x300];
	[tilespmem:$0x1190] =	vst v61  }
0x19: {  	v11 =	vld [tilespmem:$0x310];
	[tilespmem:$0x1200] =	vst v62  }
0x1a: {  	v12 =	vld [tilespmem:$0x380];
	[tilespmem:$0x1210] =	vst v63  }
0x1b: {  	v13 =	vld [tilespmem:$0x390];
	[tilespmem:$0x1280] =	vst v8  }
0x1c: {  	v14 =	vld [tilespmem:$0x400];
	[tilespmem:$0x1290] =	vst v9  }
0x1d: {  	v15 =	vld [tilespmem:$0x410];
	[tilespmem:$0x1300] =	vst v10  }
0x1e: {  	v16 =	vld [tilespmem:$0x480];
	[tilespmem:$0x1310] =	vst v11  }
0x1f: {  	v17 =	vld [tilespmem:$0x490];
	[tilespmem:$0x1380] =	vst v12  }
0x20: {  	v18 =	vld [tilespmem:$0x500];
	[tilespmem:$0x1390] =	vst v13  }
0x21: {  	v19 =	vld [tilespmem:$0x510];
	[tilespmem:$0x1400] =	vst v14  }
0x22: {  	v20 =	vld [tilespmem:$0x580];
	[tilespmem:$0x1410] =	vst v15  }
0x23: {  	v21 =	vld [tilespmem:$0x590];
	[tilespmem:$0x1480] =	vst v16  }
0x24: {  	v22 =	vld [tilespmem:$0x600];
	[tilespmem:$0x1490] =	vst v17  }
0x25: {  	v23 =	vld [tilespmem:$0x610];
	[tilespmem:$0x1500] =	vst v18  }
0x26: {  	v24 =	vld [tilespmem:$0x680];
	[tilespmem:$0x1510] =	vst v19  }
0x27: {  	v25 =	vld [tilespmem:$0x690];
	[tilespmem:$0x1580] =	vst v20  }
0x28: {  	v26 =	vld [tilespmem:$0x700];
	[tilespmem:$0x1590] =	vst v21  }
0x29: {  	v27 =	vld [tilespmem:$0x710];
	[tilespmem:$0x1600] =	vst v22  }
0x2a: {  	v28 =	vld [tilespmem:$0x780];
	[tilespmem:$0x1610] =	vst v23  }
0x2b: {  	v29 =	vld [tilespmem:$0x790];
	[tilespmem:$0x1680] =	vst v24  }
0x2c: {  	v30 =	vld [tilespmem:$0x800];
	[tilespmem:$0x1690] =	vst v25  }
0x2d: {  	v31 =	vld [tilespmem:$0x810];
	[tilespmem:$0x1700] =	vst v26  }
0x2e: {  	v32 =	vld [tilespmem:$0x880];
	[tilespmem:$0x1710] =	vst v27  }
0x2f: {  	v33 =	vld [tilespmem:$0x890];
	[tilespmem:$0x1780] =	vst v28  }
0x30: {  	v34 =	vld [tilespmem:$0x900];
	[tilespmem:$0x1790] =	vst v29  }
0x31: {  	v35 =	vld [tilespmem:$0x910];
	[tilespmem:$0x1800] =	vst v30  }
0x32: {  	v36 =	vld [tilespmem:$0x980];
	[tilespmem:$0x1810] =	vst v31  }
0x33: {  	v37 =	vld [tilespmem:$0x990];
	[tilespmem:$0x1880] =	vst v32  }
0x34: {  	v38 =	vld [tilespmem:$0xA00];
	[tilespmem:$0x1890] =	vst v33  }
0x35: {  	v39 =	vld [tilespmem:$0xA10];
	[tilespmem:$0x1900] =	vst v34  }
0x36: {  	v40 =	vld [tilespmem:$0xA80];
	[tilespmem:$0x1910] =	vst v35  }
0x37: {  	v41 =	vld [tilespmem:$0xA90];
	[tilespmem:$0x1980] =	vst v36  }
0x38: {  	v42 =	vld [tilespmem:$0xB00];
	[tilespmem:$0x1990] =	vst v37  }
0x39: {  	v43 =	vld [tilespmem:$0xB10];
	[tilespmem:$0x1A00] =	vst v38  }
0x3a: {  	v44 =	vld [tilespmem:$0xB80];
	[tilespmem:$0x1A10] =	vst v39  }
0x3b: {  	v45 =	vld [tilespmem:$0xB90];
	[tilespmem:$0x1A80] =	vst v40  }
0x3c: {  	v46 =	vld [tilespmem:$0xC00];
	[tilespmem:$0x1A90] =	vst v41  }
0x3d: {  	v47 =	vld [tilespmem:$0xC10];
	[tilespmem:$0x1B00] =	vst v42  }
0x3e: {  	v48 =	vld [tilespmem:$0xC80];
	[tilespmem:$0x1B10] =	vst v43  }
0x3f: {  	v49 =	vld [tilespmem:$0xC90];
	[tilespmem:$0x1B80] =	vst v44  }
0x40: {  	v50 =	vld [tilespmem:$0xD00];
	[tilespmem:$0x1B90] =	vst v45  }
0x41: {  	v51 =	vld [tilespmem:$0xD10];
	[tilespmem:$0x1C00] =	vst v46  }
0x42: {  	v52 =	vld [tilespmem:$0xD80];
	[tilespmem:$0x1C10] =	vst v47  }
0x43: {  	v53 =	vld [tilespmem:$0xD90];
	[tilespmem:$0x1C80] =	vst v48  }
0x44: {  	v54 =	vld [tilespmem:$0xE00];
	[tilespmem:$0x1C90] =	vst v49  }
0x45: {  	v55 =	vld [tilespmem:$0xE10];
	[tilespmem:$0x1D00] =	vst v50  }
0x46: {  	v56 =	vld [tilespmem:$0xE80];
	[tilespmem:$0x1D10] =	vst v51  }
0x47: {  	v57 =	vld [tilespmem:$0xE90];
	[tilespmem:$0x1D80] =	vst v52  }
0x48: {  	v58 =	vld [tilespmem:$0xF00];
	[tilespmem:$0x1D90] =	vst v53  }
0x49: {  	v59 =	vld [tilespmem:$0xF10];
	[tilespmem:$0x1E00] =	vst v54  }
0x4a: {  	v60 =	vld [tilespmem:$0xF80];
	[tilespmem:$0x1E10] =	vst v55  }
0x4b: {  	[tilespmem:$0x1E80] =	vst v56;
	v61 =	vld [tilespmem:$0xF90]  }
0x4c: {  	[tilespmem:$0x1E90] =	vst v57;
	v62 =	vld [tilespmem:$0x1000]  }
0x4d: {  	[tilespmem:$0x1F00] =	vst v58;
	v63 =	vld [tilespmem:$0x1010]  }
0x4e: {  	[tilespmem:$0x1F10] =	vst v59  }
0x4f: {  	[tilespmem:$0x1F80] =	vst v60  }
0x50: {  	[tilespmem:$0x1F90] =	vst v61  }
0x51: {  	s30 =	sshll.u32 s1, $0x9;
	[tilespmem:$0x2000] =	vst v62  }
0x52: {  	s31 =	simm.s32 $0x1080;
	s2 =	sadd.s32 s2, s30;
	[tilespmem:$0x2010] =	vst v63  }
0x53: {  	[hbm4b:s2+s3] =	stream.linear.scatter [tilespmem:s31], [sflag:$0x2], $0x1000, $0x38;
	[tilespmem:$0x2080] =	vst v63  }
0x54: {  	_ =	swait.ge [sflag:s28], $0x1000  }
0x55: {  	[sflag:s28] =	ssyncset.done $0x0  }
0x56: {  	[sflag:s28] =	ssyncadd.s32 $0xFFFFF000  }
0x57: {  	_ =	sfence.sel $0x180000  }
0x58: {  	[bflag:$0x0] =	sbarrier.arrive $0xFFFF  }
0x59: {  	p0 =	sne.s32 s1, $0x0;
	_ =	strace $0x90000047  }
0x5a: {  	s0 =	sadd.s32 @!p0 $0x100000, s0;
	[bflag:$0x2] =	sbarrier.arrive $0xFFFF  }
0x5b: {  	[sflag:s0] =	ssyncadd.tile.s32 @!p0 $0x1;
	_ =	shalt  }
.Lfunc_end2:
_tile_overlayer_lowered:
.L_overlay_start_2:
0x5c: {  	(tag) =	ssettag $0x2  }
0x5d: {  	s0 =	rddreg [dreg:$0x0];
	s2 =	stileid.u32  }
0x5e: {  	s1 =	rddreg [dreg:$0x1];
	p0 =	sne.s32 s2, $0x0  }
0x5f: {  	s3 =	rddreg [dreg:$0x2];
	[bflag:$0x3] =	sbarrier.arrive $0xFFFF;
	s2 =	simm.s32 @!p0 $0x1C02  }
0x60: {  	[timem:s3], [sflag:s2] =	dma.local @!p0 [hbm:s0], s1  }
0x61: {  	s0 =	simm.s32 @!p0 $0x2  }
0x62: {  	_ =	swait.ge @!p0 [sflag:s0], s1  }
0x63: {  	s1 =	ssub.s32 @!p0 $0x0, s1;
	[sflag:s0] =	ssyncset.done @!p0 $0x0  }
0x64: {  	[sflag:s0] =	ssyncadd.s32 @!p0 s1  }
0x65: {  	[bflag:$0x3] =	sbarrier.arrive $0xFFFF  }
0x66: {  	_ =	shalt  }

</sc_bundles>
